<compile_context>
chip_gen: v7x
topology: tpu7x:2x2x1
jax: 0.10.2.dev20260603
libtpu: 0.0.44.dev20260713+nightly
codegen_flags: <defaults>
</compile_context>

<pallas_src>
import functools

import jax
import jax.numpy as jnp
from jax import lax
from jax.experimental import pallas as pl
from jax.experimental.pallas import tpu as pltpu
from jax.experimental.pallas import tpu_sc as plsc

_B = 16384
_D = 32
_NC = 2
_NS = 16
_NW = _NC * _NS
_BPW = _B // _NW
_L = 16
_NG = _BPW // _L


def _make_kernel():
    mesh = plsc.VectorSubcoreMesh(core_axis_name="c", subcore_axis_name="s")

    @functools.partial(
        pl.kernel,
        mesh=mesh,
        out_type=jax.ShapeDtypeStruct((_B, _D), jnp.float32),
        scratch_types=[
            pltpu.VMEM((_BPW,), jnp.int32),
            pltpu.VMEM((_BPW, _D), jnp.float32),
            pltpu.SemaphoreType.DMA,
        ],
        compiler_params=pltpu.CompilerParams(
            needs_layout_passes=False,
        ),
    )
    def emb(idx_hbm, table_hbm, out_hbm, idx_v, rows_v, sem):
        wid = lax.axis_index("s") * _NC + lax.axis_index("c")
        pltpu.sync_copy(idx_hbm.at[pl.ds(wid * _BPW, _BPW)], idx_v)
        lanes = lax.iota(jnp.int32, _L)

        @pl.loop(0, _NG, unroll=2)
        def _fire(g):
            v = idx_v[pl.ds(g * _L, _L)]
            for k in range(_L):
                r = jnp.sum(jnp.where(lanes == k, v, 0))
                pltpu.make_async_copy(
                    table_hbm.at[pl.ds(r, 1)],
                    rows_v.at[pl.ds(g * _L + k, 1)],
                    sem,
                ).start()

        pltpu.make_async_copy(
            table_hbm.at[pl.ds(0, _BPW)], rows_v, sem
        ).wait()

        pltpu.sync_copy(rows_v, out_hbm.at[pl.ds(wid * _BPW, _BPW)])

    return emb


_emb = _make_kernel()


def kernel(char_indices, table):
    return _emb(char_indices.astype(jnp.int32), table)

# --- scband reference (transcript-rebuilt; emitter-appended) ---
"""Pipeline reference for scband-character-embedding-8323646619726 (READ-ONLY COPY).

The authoritative reference and input builder live on the scoring server;
editing this copy changes nothing except your own understanding.
"""

import jax, jax.numpy as jnp
import numpy as np

NUM_EMB = 100000
EMB_DIM = 32
BATCH = 16384

def setup_inputs(seed: int = 0) -> dict:
    key = jax.random.key(seed)
    k_idx, k_tab = jax.random.split(key)
    char_indices = jax.random.randint(k_idx, (BATCH,), 0, NUM_EMB, dtype=jnp.int64 if jax.config.jax_enable_x64 else jnp.int32)
    # nn.Embedding default init: N(0, 1)
    table = jax.random.normal(k_tab, (NUM_EMB, EMB_DIM), dtype=jnp.float32)
    return {"char_indices": char_indices, "table": table}

def reference(char_indices, table):
    return jnp.take(table, char_indices, axis=0)

if __name__ == "__main__":
    import jax
    _d = setup_inputs()
    print(jax.jit(kernel)(*tuple(_d.values())))

</pallas_src>

<mosaic_0001>
#map = affine_map<(d0, d1) -> (0)>
#map1 = affine_map<(d0, d1) -> (0, 0)>
module attributes {stable_mosaic.version = 14 : i64} {
  func.func @emb(%arg0: i32, %arg1: i32, %arg2: memref<16384xi32, #tpu.memory_space<hbm>>, %arg3: memref<100000x32xf32, #tpu.memory_space<hbm>>, %arg4: memref<16384x32xf32, #tpu.memory_space<hbm>>, %arg5: memref<512xi32, #tpu.memory_space<vmem>>, %arg6: memref<512x32xf32, #tpu.memory_space<vmem>>, %arg7: memref<!tpu.dma_semaphore, #tpu.memory_space<semaphore_mem>>) attributes {dimension_semantics = [#tpu.dimension_semantics<core_parallel>, #tpu.dimension_semantics<subcore_parallel>], iteration_bounds = array<i64: 2, 16>, scalar_prefetch = 0 : i64, scratch_operands = 3 : i64, tpu.core_type = #tpu.core_type<sc_vector_subcore>, window_params = [{transform_indices = #map}, {transform_indices = #map1}, {transform_indices = #map1}]} {
    %mul3A = arith.constant 2 : i32
    %mul3A_0 = arith.muli %arg1, %mul3A : i32
    %add3A = arith.addi %mul3A_0, %arg0 : i32
    %mul3A_1 = arith.constant 512 : i32
    %mul3A_2 = arith.muli %add3A, %mul3A_1 : i32
    "tpu.region"() ({
      %run_scoped3A = tpu.sem_alloc : memref<!tpu.dma_semaphore, #tpu.memory_space<semaphore_mem>>
      %dma_start3A = tpu.memref_slice %arg2[%mul3A_2] : memref<16384xi32, #tpu.memory_space<hbm>> -> memref<512xi32, #tpu.memory_space<hbm>>
      %dma_start3A_14 = tpu.memref_slice %arg2[%mul3A_2] : memref<16384xi32, #tpu.memory_space<hbm>> -> memref<512xi32, #tpu.memory_space<hbm>>
      tpu.enqueue_dma source(%dma_start3A_14 : memref<512xi32, #tpu.memory_space<hbm>>) target(%arg5 : memref<512xi32, #tpu.memory_space<vmem>>) target_semaphore(%run_scoped3A : memref<!tpu.dma_semaphore, #tpu.memory_space<semaphore_mem>>)
      %dma_wait3A_15 = tpu.memref_slice %arg2[%mul3A_2] : memref<16384xi32, #tpu.memory_space<hbm>> -> memref<512xi32, #tpu.memory_space<hbm>>
      %dma_wait3A_16 = tpu.memref_slice %arg2[%mul3A_2] : memref<16384xi32, #tpu.memory_space<hbm>> -> memref<512xi32, #tpu.memory_space<hbm>>
      tpu.wait_dma2 semaphore(%run_scoped3A : memref<!tpu.dma_semaphore, #tpu.memory_space<semaphore_mem>>) src(%dma_wait3A_16 : memref<512xi32, #tpu.memory_space<hbm>>) dst(%arg5 : memref<512xi32, #tpu.memory_space<vmem>>)
      tpu.yield
    }) : () -> ()
    %iota3A = tpu.iota {dimensions = array<i32: 0>} : vector<16xi32>
    %scan3A = arith.constant 0 : i32
    %scan3A_3 = arith.constant 32 : i32
    %scan3A_4 = arith.addi %scan3A, %scan3A_3 : i32
    %scan3A_5 = arith.constant 2 : i32
    scf.for %scan3A_14 = %scan3A to %scan3A_4 step %scan3A_5  : i32 {
      %mul3A_15 = arith.constant 1 : i32
      %mul3A_16 = arith.muli %scan3A_14, %mul3A_15 : i32
      %add3A_17 = arith.constant 0 : i32
      %add3A_18 = arith.addi %add3A_17, %mul3A_16 : i32
      %mul3A_19 = arith.constant 16 : i32
      %mul3A_20 = arith.muli %add3A_18, %mul3A_19 : i32
      %get3A = arith.index_cast %mul3A_20 : i32 to index
      %get3A_21 = tpu.vector_load %arg5[%get3A] {strides = array<i32>} : memref<512xi32, #tpu.memory_space<vmem>>, vector<16xi32>,
      %eq3A = arith.constant 0 : i32
      %eq3A_22 = vector.broadcast %eq3A : i32 to vector<16xi32>
      %eq3A_23 = arith.cmpi eq, %iota3A, %eq3A_22 : vector<16xi32>
      %jit3A = arith.constant 0 : i32
      %broadcast_in_dim3A = vector.broadcast %jit3A : i32 to vector<16xi32>
      %select_n3A = arith.select %eq3A_23, %get3A_21, %broadcast_in_dim3A : vector<16xi1>, vector<16xi32>
      %reduce_sum3A = arith.constant true
      %reduce_sum3A_24 = vector.broadcast %reduce_sum3A : i1 to vector<16xi1>
      %reduce_sum3A_25 = tpu.scan <sum>, %select_n3A masked %reduce_sum3A_24 : vector<16xi32>, vector<16xi1> -> vector<16xi32>
      %reduce_sum3A_26 = vector.extract %reduce_sum3A_25[15] : i32 from vector<16xi32>
      %mul3A_27 = arith.constant 16 : i32
      %mul3A_28 = arith.muli %add3A_18, %mul3A_27 : i32
      %add3A_29 = arith.constant 0 : i32
      %add3A_30 = arith.addi %mul3A_28, %add3A_29 : i32
      %dma_start3A = arith.constant 0 : i32
      %dma_start3A_31 = tpu.memref_slice %arg6[%add3A_30, %dma_start3A] : memref<512x32xf32, #tpu.memory_space<vmem>> -> memref<1x32xf32, #tpu.memory_space<vmem>>
      %dma_start3A_32 = arith.constant 0 : i32
      %dma_start3A_33 = tpu.memref_slice %arg3[%reduce_sum3A_26, %dma_start3A_32] : memref<100000x32xf32, #tpu.memory_space<hbm>> -> memref<1x32xf32, #tpu.memory_space<hbm>>
      %dma_start3A_34 = arith.constant 0 : i32
      %dma_start3A_35 = tpu.memref_slice %arg6[%add3A_30, %dma_start3A_34] : memref<512x32xf32, #tpu.memory_space<vmem>> -> memref<1x32xf32, #tpu.memory_space<vmem>>
      %dma_start3A_36 = arith.constant 0 : i32
      %dma_start3A_37 = tpu.memref_slice %arg3[%reduce_sum3A_26, %dma_start3A_36] : memref<100000x32xf32, #tpu.memory_space<hbm>> -> memref<1x32xf32, #tpu.memory_space<hbm>>
      tpu.enqueue_dma source(%dma_start3A_37 : memref<1x32xf32, #tpu.memory_space<hbm>>) target(%dma_start3A_35 : memref<1x32xf32, #tpu.memory_space<vmem>>) target_semaphore(%arg7 : memref<!tpu.dma_semaphore, #tpu.memory_space<semaphore_mem>>)
      %eq3A_38 = arith.constant 1 : i32
      %eq3A_39 = vector.broadcast %eq3A_38 : i32 to vector<16xi32>
      %eq3A_40 = arith.cmpi eq, %iota3A, %eq3A_39 : vector<16xi32>
      %jit3A_41 = arith.constant 0 : i32
      %broadcast_in_dim3A_42 = vector.broadcast %jit3A_41 : i32 to vector<16xi32>
      %select_n3A_43 = arith.select %eq3A_40, %get3A_21, %broadcast_in_dim3A_42 : vector<16xi1>, vector<16xi32>
      %reduce_sum3A_44 = arith.constant true
      %reduce_sum3A_45 = vector.broadcast %reduce_sum3A_44 : i1 to vector<16xi1>
      %reduce_sum3A_46 = tpu.scan <sum>, %select_n3A_43 masked %reduce_sum3A_45 : vector<16xi32>, vector<16xi1> -> vector<16xi32>
      %reduce_sum3A_47 = vector.extract %reduce_sum3A_46[15] : i32 from vector<16xi32>
      %mul3A_48 = arith.constant 16 : i32
      %mul3A_49 = arith.muli %add3A_18, %mul3A_48 : i32
      %add3A_50 = arith.constant 1 : i32
      %add3A_51 = arith.addi %mul3A_49, %add3A_50 : i32
      %dma_start3A_52 = arith.constant 0 : i32
      %dma_start3A_53 = tpu.memref_slice %arg6[%add3A_51, %dma_start3A_52] : memref<512x32xf32, #tpu.memory_space<vmem>> -> memref<1x32xf32, #tpu.memory_space<vmem>>
      %dma_start3A_54 = arith.constant 0 : i32
      %dma_start3A_55 = tpu.memref_slice %arg3[%reduce_sum3A_47, %dma_start3A_54] : memref<100000x32xf32, #tpu.memory_space<hbm>> -> memref<1x32xf32, #tpu.memory_space<hbm>>
      %dma_start3A_56 = arith.constant 0 : i32
      %dma_start3A_57 = tpu.memref_slice %arg6[%add3A_51, %dma_start3A_56] : memref<512x32xf32, #tpu.memory_space<vmem>> -> memref<1x32xf32, #tpu.memory_space<vmem>>
      %dma_start3A_58 = arith.constant 0 : i32
      %dma_start3A_59 = tpu.memref_slice %arg3[%reduce_sum3A_47, %dma_start3A_58] : memref<100000x32xf32, #tpu.memory_space<hbm>> -> memref<1x32xf32, #tpu.memory_space<hbm>>
      tpu.enqueue_dma source(%dma_start3A_59 : memref<1x32xf32, #tpu.memory_space<hbm>>) target(%dma_start3A_57 : memref<1x32xf32, #tpu.memory_space<vmem>>) target_semaphore(%arg7 : memref<!tpu.dma_semaphore, #tpu.memory_space<semaphore_mem>>)
      %eq3A_60 = arith.constant 2 : i32
      %eq3A_61 = vector.broadcast %eq3A_60 : i32 to vector<16xi32>
      %eq3A_62 = arith.cmpi eq, %iota3A, %eq3A_61 : vector<16xi32>
      %jit3A_63 = arith.constant 0 : i32
      %broadcast_in_dim3A_64 = vector.broadcast %jit3A_63 : i32 to vector<16xi32>
      %select_n3A_65 = arith.select %eq3A_62, %get3A_21, %broadcast_in_dim3A_64 : vector<16xi1>, vector<16xi32>
      %reduce_sum3A_66 = arith.constant true
      %reduce_sum3A_67 = vector.broadcast %reduce_sum3A_66 : i1 to vector<16xi1>
      %reduce_sum3A_68 = tpu.scan <sum>, %select_n3A_65 masked %reduce_sum3A_67 : vector<16xi32>, vector<16xi1> -> vector<16xi32>
      %reduce_sum3A_69 = vector.extract %reduce_sum3A_68[15] : i32 from vector<16xi32>
      %mul3A_70 = arith.constant 16 : i32
      %mul3A_71 = arith.muli %add3A_18, %mul3A_70 : i32
      %add3A_72 = arith.constant 2 : i32
      %add3A_73 = arith.addi %mul3A_71, %add3A_72 : i32
      %dma_start3A_74 = arith.constant 0 : i32
      %dma_start3A_75 = tpu.memref_slice %arg6[%add3A_73, %dma_start3A_74] : memref<512x32xf32, #tpu.memory_space<vmem>> -> memref<1x32xf32, #tpu.memory_space<vmem>>
      %dma_start3A_76 = arith.constant 0 : i32
      %dma_start3A_77 = tpu.memref_slice %arg3[%reduce_sum3A_69, %dma_start3A_76] : memref<100000x32xf32, #tpu.memory_space<hbm>> -> memref<1x32xf32, #tpu.memory_space<hbm>>
      %dma_start3A_78 = arith.constant 0 : i32
      %dma_start3A_79 = tpu.memref_slice %arg6[%add3A_73, %dma_start3A_78] : memref<512x32xf32, #tpu.memory_space<vmem>> -> memref<1x32xf32, #tpu.memory_space<vmem>>
      %dma_start3A_80 = arith.constant 0 : i32
      %dma_start3A_81 = tpu.memref_slice %arg3[%reduce_sum3A_69, %dma_start3A_80] : memref<100000x32xf32, #tpu.memory_space<hbm>> -> memref<1x32xf32, #tpu.memory_space<hbm>>
      tpu.enqueue_dma source(%dma_start3A_81 : memref<1x32xf32, #tpu.memory_space<hbm>>) target(%dma_start3A_79 : memref<1x32xf32, #tpu.memory_space<vmem>>) target_semaphore(%arg7 : memref<!tpu.dma_semaphore, #tpu.memory_space<semaphore_mem>>)
      %eq3A_82 = arith.constant 3 : i32
      %eq3A_83 = vector.broadcast %eq3A_82 : i32 to vector<16xi32>
      %eq3A_84 = arith.cmpi eq, %iota3A, %eq3A_83 : vector<16xi32>
      %jit3A_85 = arith.constant 0 : i32
      %broadcast_in_dim3A_86 = vector.broadcast %jit3A_85 : i32 to vector<16xi32>
      %select_n3A_87 = arith.select %eq3A_84, %get3A_21, %broadcast_in_dim3A_86 : vector<16xi1>, vector<16xi32>
      %reduce_sum3A_88 = arith.constant true
      %reduce_sum3A_89 = vector.broadcast %reduce_sum3A_88 : i1 to vector<16xi1>
      %reduce_sum3A_90 = tpu.scan <sum>, %select_n3A_87 masked %reduce_sum3A_89 : vector<16xi32>, vector<16xi1> -> vector<16xi32>
      %reduce_sum3A_91 = vector.extract %reduce_sum3A_90[15] : i32 from vector<16xi32>
      %mul3A_92 = arith.constant 16 : i32
      %mul3A_93 = arith.muli %add3A_18, %mul3A_92 : i32
      %add3A_94 = arith.constant 3 : i32
      %add3A_95 = arith.addi %mul3A_93, %add3A_94 : i32
      %dma_start3A_96 = arith.constant 0 : i32
      %dma_start3A_97 = tpu.memref_slice %arg6[%add3A_95, %dma_start3A_96] : memref<512x32xf32, #tpu.memory_space<vmem>> -> memref<1x32xf32, #tpu.memory_space<vmem>>
      %dma_start3A_98 = arith.constant 0 : i32
      %dma_start3A_99 = tpu.memref_slice %arg3[%reduce_sum3A_91, %dma_start3A_98] : memref<100000x32xf32, #tpu.memory_space<hbm>> -> memref<1x32xf32, #tpu.memory_space<hbm>>
      %dma_start3A_100 = arith.constant 0 : i32
      %dma_start3A_101 = tpu.memref_slice %arg6[%add3A_95, %dma_start3A_100] : memref<512x32xf32, #tpu.memory_space<vmem>> -> memref<1x32xf32, #tpu.memory_space<vmem>>
      %dma_start3A_102 = arith.constant 0 : i32
      %dma_start3A_103 = tpu.memref_slice %arg3[%reduce_sum3A_91, %dma_start3A_102] : memref<100000x32xf32, #tpu.memory_space<hbm>> -> memref<1x32xf32, #tpu.memory_space<hbm>>
      tpu.enqueue_dma source(%dma_start3A_103 : memref<1x32xf32, #tpu.memory_space<hbm>>) target(%dma_start3A_101 : memref<1x32xf32, #tpu.memory_space<vmem>>) target_semaphore(%arg7 : memref<!tpu.dma_semaphore, #tpu.memory_space<semaphore_mem>>)
      %eq3A_104 = arith.constant 4 : i32
      %eq3A_105 = vector.broadcast %eq3A_104 : i32 to vector<16xi32>
      %eq3A_106 = arith.cmpi eq, %iota3A, %eq3A_105 : vector<16xi32>
      %jit3A_107 = arith.constant 0 : i32
      %broadcast_in_dim3A_108 = vector.broadcast %jit3A_107 : i32 to vector<16xi32>
      %select_n3A_109 = arith.select %eq3A_106, %get3A_21, %broadcast_in_dim3A_108 : vector<16xi1>, vector<16xi32>
      %reduce_sum3A_110 = arith.constant true
      %reduce_sum3A_111 = vector.broadcast %reduce_sum3A_110 : i1 to vector<16xi1>
      %reduce_sum3A_112 = tpu.scan <sum>, %select_n3A_109 masked %reduce_sum3A_111 : vector<16xi32>, vector<16xi1> -> vector<16xi32>
      %reduce_sum3A_113 = vector.extract %reduce_sum3A_112[15] : i32 from vector<16xi32>
      %mul3A_114 = arith.constant 16 : i32
      %mul3A_115 = arith.muli %add3A_18, %mul3A_114 : i32
      %add3A_116 = arith.constant 4 : i32
      %add3A_117 = arith.addi %mul3A_115, %add3A_116 : i32
      %dma_start3A_118 = arith.constant 0 : i32
      %dma_start3A_119 = tpu.memref_slice %arg6[%add3A_117, %dma_start3A_118] : memref<512x32xf32, #tpu.memory_space<vmem>> -> memref<1x32xf32, #tpu.memory_space<vmem>>
      %dma_start3A_120 = arith.constant 0 : i32
      %dma_start3A_121 = tpu.memref_slice %arg3[%reduce_sum3A_113, %dma_start3A_120] : memref<100000x32xf32, #tpu.memory_space<hbm>> -> memref<1x32xf32, #tpu.memory_space<hbm>>
      %dma_start3A_122 = arith.constant 0 : i32
      %dma_start3A_123 = tpu.memref_slice %arg6[%add3A_117, %dma_start3A_122] : memref<512x32xf32, #tpu.memory_space<vmem>> -> memref<1x32xf32, #tpu.memory_space<vmem>>
      %dma_start3A_124 = arith.constant 0 : i32
      %dma_start3A_125 = tpu.memref_slice %arg3[%reduce_sum3A_113, %dma_start3A_124] : memref<100000x32xf32, #tpu.memory_space<hbm>> -> memref<1x32xf32, #tpu.memory_space<hbm>>
      tpu.enqueue_dma source(%dma_start3A_125 : memref<1x32xf32, #tpu.memory_space<hbm>>) target(%dma_start3A_123 : memref<1x32xf32, #tpu.memory_space<vmem>>) target_semaphore(%arg7 : memref<!tpu.dma_semaphore, #tpu.memory_space<semaphore_mem>>)
      %eq3A_126 = arith.constant 5 : i32
      %eq3A_127 = vector.broadcast %eq3A_126 : i32 to vector<16xi32>
      %eq3A_128 = arith.cmpi eq, %iota3A, %eq3A_127 : vector<16xi32>
      %jit3A_129 = arith.constant 0 : i32
      %broadcast_in_dim3A_130 = vector.broadcast %jit3A_129 : i32 to vector<16xi32>
      %select_n3A_131 = arith.select %eq3A_128, %get3A_21, %broadcast_in_dim3A_130 : vector<16xi1>, vector<16xi32>
      %reduce_sum3A_132 = arith.constant true
      %reduce_sum3A_133 = vector.broadcast %reduce_sum3A_132 : i1 to vector<16xi1>
      %reduce_sum3A_134 = tpu.scan <sum>, %select_n3A_131 masked %reduce_sum3A_133 : vector<16xi32>, vector<16xi1> -> vector<16xi32>
      %reduce_sum3A_135 = vector.extract %reduce_sum3A_134[15] : i32 from vector<16xi32>
      %mul3A_136 = arith.constant 16 : i32
      %mul3A_137 = arith.muli %add3A_18, %mul3A_136 : i32
      %add3A_138 = arith.constant 5 : i32
      %add3A_139 = arith.addi %mul3A_137, %add3A_138 : i32
      %dma_start3A_140 = arith.constant 0 : i32
      %dma_start3A_141 = tpu.memref_slice %arg6[%add3A_139, %dma_start3A_140] : memref<512x32xf32, #tpu.memory_space<vmem>> -> memref<1x32xf32, #tpu.memory_space<vmem>>
      %dma_start3A_142 = arith.constant 0 : i32
      %dma_start3A_143 = tpu.memref_slice %arg3[%reduce_sum3A_135, %dma_start3A_142] : memref<100000x32xf32, #tpu.memory_space<hbm>> -> memref<1x32xf32, #tpu.memory_space<hbm>>
      %dma_start3A_144 = arith.constant 0 : i32
      %dma_start3A_145 = tpu.memref_slice %arg6[%add3A_139, %dma_start3A_144] : memref<512x32xf32, #tpu.memory_space<vmem>> -> memref<1x32xf32, #tpu.memory_space<vmem>>
      %dma_start3A_146 = arith.constant 0 : i32
      %dma_start3A_147 = tpu.memref_slice %arg3[%reduce_sum3A_135, %dma_start3A_146] : memref<100000x32xf32, #tpu.memory_space<hbm>> -> memref<1x32xf32, #tpu.memory_space<hbm>>
      tpu.enqueue_dma source(%dma_start3A_147 : memref<1x32xf32, #tpu.memory_space<hbm>>) target(%dma_start3A_145 : memref<1x32xf32, #tpu.memory_space<vmem>>) target_semaphore(%arg7 : memref<!tpu.dma_semaphore, #tpu.memory_space<semaphore_mem>>)
      %eq3A_148 = arith.constant 6 : i32
      %eq3A_149 = vector.broadcast %eq3A_148 : i32 to vector<16xi32>
      %eq3A_150 = arith.cmpi eq, %iota3A, %eq3A_149 : vector<16xi32>
      %jit3A_151 = arith.constant 0 : i32
      %broadcast_in_dim3A_152 = vector.broadcast %jit3A_151 : i32 to vector<16xi32>
      %select_n3A_153 = arith.select %eq3A_150, %get3A_21, %broadcast_in_dim3A_152 : vector<16xi1>, vector<16xi32>
      %reduce_sum3A_154 = arith.constant true
      %reduce_sum3A_155 = vector.broadcast %reduce_sum3A_154 : i1 to vector<16xi1>
      %reduce_sum3A_156 = tpu.scan <sum>, %select_n3A_153 masked %reduce_sum3A_155 : vector<16xi32>, vector<16xi1> -> vector<16xi32>
      %reduce_sum3A_157 = vector.extract %reduce_sum3A_156[15] : i32 from vector<16xi32>
      %mul3A_158 = arith.constant 16 : i32
      %mul3A_159 = arith.muli %add3A_18, %mul3A_158 : i32
      %add3A_160 = arith.constant 6 : i32
      %add3A_161 = arith.addi %mul3A_159, %add3A_160 : i32
      %dma_start3A_162 = arith.constant 0 : i32
      %dma_start3A_163 = tpu.memref_slice %arg6[%add3A_161, %dma_start3A_162] : memref<512x32xf32, #tpu.memory_space<vmem>> -> memref<1x32xf32, #tpu.memory_space<vmem>>
      %dma_start3A_164 = arith.constant 0 : i32
      %dma_start3A_165 = tpu.memref_slice %arg3[%reduce_sum3A_157, %dma_start3A_164] : memref<100000x32xf32, #tpu.memory_space<hbm>> -> memref<1x32xf32, #tpu.memory_space<hbm>>
      %dma_start3A_166 = arith.constant 0 : i32
      %dma_start3A_167 = tpu.memref_slice %arg6[%add3A_161, %dma_start3A_166] : memref<512x32xf32, #tpu.memory_space<vmem>> -> memref<1x32xf32, #tpu.memory_space<vmem>>
      %dma_start3A_168 = arith.constant 0 : i32
      %dma_start3A_169 = tpu.memref_slice %arg3[%reduce_sum3A_157, %dma_start3A_168] : memref<100000x32xf32, #tpu.memory_space<hbm>> -> memref<1x32xf32, #tpu.memory_space<hbm>>
      tpu.enqueue_dma source(%dma_start3A_169 : memref<1x32xf32, #tpu.memory_space<hbm>>) target(%dma_start3A_167 : memref<1x32xf32, #tpu.memory_space<vmem>>) target_semaphore(%arg7 : memref<!tpu.dma_semaphore, #tpu.memory_space<semaphore_mem>>)
      %eq3A_170 = arith.constant 7 : i32
      %eq3A_171 = vector.broadcast %eq3A_170 : i32 to vector<16xi32>
      %eq3A_172 = arith.cmpi eq, %iota3A, %eq3A_171 : vector<16xi32>
      %jit3A_173 = arith.constant 0 : i32
      %broadcast_in_dim3A_174 = vector.broadcast %jit3A_173 : i32 to vector<16xi32>
      %select_n3A_175 = arith.select %eq3A_172, %get3A_21, %broadcast_in_dim3A_174 : vector<16xi1>, vector<16xi32>
      %reduce_sum3A_176 = arith.constant true
      %reduce_sum3A_177 = vector.broadcast %reduce_sum3A_176 : i1 to vector<16xi1>
      %reduce_sum3A_178 = tpu.scan <sum>, %select_n3A_175 masked %reduce_sum3A_177 : vector<16xi32>, vector<16xi1> -> vector<16xi32>
      %reduce_sum3A_179 = vector.extract %reduce_sum3A_178[15] : i32 from vector<16xi32>
      %mul3A_180 = arith.constant 16 : i32
      %mul3A_181 = arith.muli %add3A_18, %mul3A_180 : i32
      %add3A_182 = arith.constant 7 : i32
      %add3A_183 = arith.addi %mul3A_181, %add3A_182 : i32
      %dma_start3A_184 = arith.constant 0 : i32
      %dma_start3A_185 = tpu.memref_slice %arg6[%add3A_183, %dma_start3A_184] : memref<512x32xf32, #tpu.memory_space<vmem>> -> memref<1x32xf32, #tpu.memory_space<vmem>>
      %dma_start3A_186 = arith.constant 0 : i32
      %dma_start3A_187 = tpu.memref_slice %arg3[%reduce_sum3A_179, %dma_start3A_186] : memref<100000x32xf32, #tpu.memory_space<hbm>> -> memref<1x32xf32, #tpu.memory_space<hbm>>
      %dma_start3A_188 = arith.constant 0 : i32
      %dma_start3A_189 = tpu.memref_slice %arg6[%add3A_183, %dma_start3A_188] : memref<512x32xf32, #tpu.memory_space<vmem>> -> memref<1x32xf32, #tpu.memory_space<vmem>>
      %dma_start3A_190 = arith.constant 0 : i32
      %dma_start3A_191 = tpu.memref_slice %arg3[%reduce_sum3A_179, %dma_start3A_190] : memref<100000x32xf32, #tpu.memory_space<hbm>> -> memref<1x32xf32, #tpu.memory_space<hbm>>
      tpu.enqueue_dma source(%dma_start3A_191 : memref<1x32xf32, #tpu.memory_space<hbm>>) target(%dma_start3A_189 : memref<1x32xf32, #tpu.memory_space<vmem>>) target_semaphore(%arg7 : memref<!tpu.dma_semaphore, #tpu.memory_space<semaphore_mem>>)
      %eq3A_192 = arith.constant 8 : i32
      %eq3A_193 = vector.broadcast %eq3A_192 : i32 to vector<16xi32>
      %eq3A_194 = arith.cmpi eq, %iota3A, %eq3A_193 : vector<16xi32>
      %jit3A_195 = arith.constant 0 : i32
      %broadcast_in_dim3A_196 = vector.broadcast %jit3A_195 : i32 to vector<16xi32>
      %select_n3A_197 = arith.select %eq3A_194, %get3A_21, %broadcast_in_dim3A_196 : vector<16xi1>, vector<16xi32>
      %reduce_sum3A_198 = arith.constant true
      %reduce_sum3A_199 = vector.broadcast %reduce_sum3A_198 : i1 to vector<16xi1>
      %reduce_sum3A_200 = tpu.scan <sum>, %select_n3A_197 masked %reduce_sum3A_199 : vector<16xi32>, vector<16xi1> -> vector<16xi32>
      %reduce_sum3A_201 = vector.extract %reduce_sum3A_200[15] : i32 from vector<16xi32>
      %mul3A_202 = arith.constant 16 : i32
      %mul3A_203 = arith.muli %add3A_18, %mul3A_202 : i32
      %add3A_204 = arith.constant 8 : i32
      %add3A_205 = arith.addi %mul3A_203, %add3A_204 : i32
      %dma_start3A_206 = arith.constant 0 : i32
      %dma_start3A_207 = tpu.memref_slice %arg6[%add3A_205, %dma_start3A_206] : memref<512x32xf32, #tpu.memory_space<vmem>> -> memref<1x32xf32, #tpu.memory_space<vmem>>
      %dma_start3A_208 = arith.constant 0 : i32
      %dma_start3A_209 = tpu.memref_slice %arg3[%reduce_sum3A_201, %dma_start3A_208] : memref<100000x32xf32, #tpu.memory_space<hbm>> -> memref<1x32xf32, #tpu.memory_space<hbm>>
      %dma_start3A_210 = arith.constant 0 : i32
      %dma_start3A_211 = tpu.memref_slice %arg6[%add3A_205, %dma_start3A_210] : memref<512x32xf32, #tpu.memory_space<vmem>> -> memref<1x32xf32, #tpu.memory_space<vmem>>
      %dma_start3A_212 = arith.constant 0 : i32
      %dma_start3A_213 = tpu.memref_slice %arg3[%reduce_sum3A_201, %dma_start3A_212] : memref<100000x32xf32, #tpu.memory_space<hbm>> -> memref<1x32xf32, #tpu.memory_space<hbm>>
      tpu.enqueue_dma source(%dma_start3A_213 : memref<1x32xf32, #tpu.memory_space<hbm>>) target(%dma_start3A_211 : memref<1x32xf32, #tpu.memory_space<vmem>>) target_semaphore(%arg7 : memref<!tpu.dma_semaphore, #tpu.memory_space<semaphore_mem>>)
      %eq3A_214 = arith.constant 9 : i32
      %eq3A_215 = vector.broadcast %eq3A_214 : i32 to vector<16xi32>
      %eq3A_216 = arith.cmpi eq, %iota3A, %eq3A_215 : vector<16xi32>
      %jit3A_217 = arith.constant 0 : i32
      %broadcast_in_dim3A_218 = vector.broadcast %jit3A_217 : i32 to vector<16xi32>
      %select_n3A_219 = arith.select %eq3A_216, %get3A_21, %broadcast_in_dim3A_218 : vector<16xi1>, vector<16xi32>
      %reduce_sum3A_220 = arith.constant true
      %reduce_sum3A_221 = vector.broadcast %reduce_sum3A_220 : i1 to vector<16xi1>
      %reduce_sum3A_222 = tpu.scan <sum>, %select_n3A_219 masked %reduce_sum3A_221 : vector<16xi32>, vector<16xi1> -> vector<16xi32>
      %reduce_sum3A_223 = vector.extract %reduce_sum3A_222[15] : i32 from vector<16xi32>
      %mul3A_224 = arith.constant 16 : i32
      %mul3A_225 = arith.muli %add3A_18, %mul3A_224 : i32
      %add3A_226 = arith.constant 9 : i32
      %add3A_227 = arith.addi %mul3A_225, %add3A_226 : i32
      %dma_start3A_228 = arith.constant 0 : i32
      %dma_start3A_229 = tpu.memref_slice %arg6[%add3A_227, %dma_start3A_228] : memref<512x32xf32, #tpu.memory_space<vmem>> -> memref<1x32xf32, #tpu.memory_space<vmem>>
      %dma_start3A_230 = arith.constant 0 : i32
      %dma_start3A_231 = tpu.memref_slice %arg3[%reduce_sum3A_223, %dma_start3A_230] : memref<100000x32xf32, #tpu.memory_space<hbm>> -> memref<1x32xf32, #tpu.memory_space<hbm>>
      %dma_start3A_232 = arith.constant 0 : i32
      %dma_start3A_233 = tpu.memref_slice %arg6[%add3A_227, %dma_start3A_232] : memref<512x32xf32, #tpu.memory_space<vmem>> -> memref<1x32xf32, #tpu.memory_space<vmem>>
      %dma_start3A_234 = arith.constant 0 : i32
      %dma_start3A_235 = tpu.memref_slice %arg3[%reduce_sum3A_223, %dma_start3A_234] : memref<100000x32xf32, #tpu.memory_space<hbm>> -> memref<1x32xf32, #tpu.memory_space<hbm>>
      tpu.enqueue_dma source(%dma_start3A_235 : memref<1x32xf32, #tpu.memory_space<hbm>>) target(%dma_start3A_233 : memref<1x32xf32, #tpu.memory_space<vmem>>) target_semaphore(%arg7 : memref<!tpu.dma_semaphore, #tpu.memory_space<semaphore_mem>>)
      %eq3A_236 = arith.constant 10 : i32
      %eq3A_237 = vector.broadcast %eq3A_236 : i32 to vector<16xi32>
      %eq3A_238 = arith.cmpi eq, %iota3A, %eq3A_237 : vector<16xi32>
      %jit3A_239 = arith.constant 0 : i32
      %broadcast_in_dim3A_240 = vector.broadcast %jit3A_239 : i32 to vector<16xi32>
      %select_n3A_241 = arith.select %eq3A_238, %get3A_21, %broadcast_in_dim3A_240 : vector<16xi1>, vector<16xi32>
      %reduce_sum3A_242 = arith.constant true
      %reduce_sum3A_243 = vector.broadcast %reduce_sum3A_242 : i1 to vector<16xi1>
      %reduce_sum3A_244 = tpu.scan <sum>, %select_n3A_241 masked %reduce_sum3A_243 : vector<16xi32>, vector<16xi1> -> vector<16xi32>
      %reduce_sum3A_245 = vector.extract %reduce_sum3A_244[15] : i32 from vector<16xi32>
      %mul3A_246 = arith.constant 16 : i32
      %mul3A_247 = arith.muli %add3A_18, %mul3A_246 : i32
      %add3A_248 = arith.constant 10 : i32
      %add3A_249 = arith.addi %mul3A_247, %add3A_248 : i32
      %dma_start3A_250 = arith.constant 0 : i32
      %dma_start3A_251 = tpu.memref_slice %arg6[%add3A_249, %dma_start3A_250] : memref<512x32xf32, #tpu.memory_space<vmem>> -> memref<1x32xf32, #tpu.memory_space<vmem>>
      %dma_start3A_252 = arith.constant 0 : i32
      %dma_start3A_253 = tpu.memref_slice %arg3[%reduce_sum3A_245, %dma_start3A_252] : memref<100000x32xf32, #tpu.memory_space<hbm>> -> memref<1x32xf32, #tpu.memory_space<hbm>>
      %dma_start3A_254 = arith.constant 0 : i32
      %dma_start3A_255 = tpu.memref_slice %arg6[%add3A_249, %dma_start3A_254] : memref<512x32xf32, #tpu.memory_space<vmem>> -> memref<1x32xf32, #tpu.memory_space<vmem>>
      %dma_start3A_256 = arith.constant 0 : i32
      %dma_start3A_257 = tpu.memref_slice %arg3[%reduce_sum3A_245, %dma_start3A_256] : memref<100000x32xf32, #tpu.memory_space<hbm>> -> memref<1x32xf32, #tpu.memory_space<hbm>>
      tpu.enqueue_dma source(%dma_start3A_257 : memref<1x32xf32, #tpu.memory_space<hbm>>) target(%dma_start3A_255 : memref<1x32xf32, #tpu.memory_space<vmem>>) target_semaphore(%arg7 : memref<!tpu.dma_semaphore, #tpu.memory_space<semaphore_mem>>)
      %eq3A_258 = arith.constant 11 : i32
      %eq3A_259 = vector.broadcast %eq3A_258 : i32 to vector<16xi32>
      %eq3A_260 = arith.cmpi eq, %iota3A, %eq3A_259 : vector<16xi32>
      %jit3A_261 = arith.constant 0 : i32
      %broadcast_in_dim3A_262 = vector.broadcast %jit3A_261 : i32 to vector<16xi32>
      %select_n3A_263 = arith.select %eq3A_260, %get3A_21, %broadcast_in_dim3A_262 : vector<16xi1>, vector<16xi32>
      %reduce_sum3A_264 = arith.constant true
      %reduce_sum3A_265 = vector.broadcast %reduce_sum3A_264 : i1 to vector<16xi1>
      %reduce_sum3A_266 = tpu.scan <sum>, %select_n3A_263 masked %reduce_sum3A_265 : vector<16xi32>, vector<16xi1> -> vector<16xi32>
      %reduce_sum3A_267 = vector.extract %reduce_sum3A_266[15] : i32 from vector<16xi32>
      %mul3A_268 = arith.constant 16 : i32
      %mul3A_269 = arith.muli %add3A_18, %mul3A_268 : i32
      %add3A_270 = arith.constant 11 : i32
      %add3A_271 = arith.addi %mul3A_269, %add3A_270 : i32
      %dma_start3A_272 = arith.constant 0 : i32
      %dma_start3A_273 = tpu.memref_slice %arg6[%add3A_271, %dma_start3A_272] : memref<512x32xf32, #tpu.memory_space<vmem>> -> memref<1x32xf32, #tpu.memory_space<vmem>>
      %dma_start3A_274 = arith.constant 0 : i32
      %dma_start3A_275 = tpu.memref_slice %arg3[%reduce_sum3A_267, %dma_start3A_274] : memref<100000x32xf32, #tpu.memory_space<hbm>> -> memref<1x32xf32, #tpu.memory_space<hbm>>
      %dma_start3A_276 = arith.constant 0 : i32
      %dma_start3A_277 = tpu.memref_slice %arg6[%add3A_271, %dma_start3A_276] : memref<512x32xf32, #tpu.memory_space<vmem>> -> memref<1x32xf32, #tpu.memory_space<vmem>>
      %dma_start3A_278 = arith.constant 0 : i32
      %dma_start3A_279 = tpu.memref_slice %arg3[%reduce_sum3A_267, %dma_start3A_278] : memref<100000x32xf32, #tpu.memory_space<hbm>> -> memref<1x32xf32, #tpu.memory_space<hbm>>
      tpu.enqueue_dma source(%dma_start3A_279 : memref<1x32xf32, #tpu.memory_space<hbm>>) target(%dma_start3A_277 : memref<1x32xf32, #tpu.memory_space<vmem>>) target_semaphore(%arg7 : memref<!tpu.dma_semaphore, #tpu.memory_space<semaphore_mem>>)
      %eq3A_280 = arith.constant 12 : i32
      %eq3A_281 = vector.broadcast %eq3A_280 : i32 to vector<16xi32>
      %eq3A_282 = arith.cmpi eq, %iota3A, %eq3A_281 : vector<16xi32>
      %jit3A_283 = arith.constant 0 : i32
      %broadcast_in_dim3A_284 = vector.broadcast %jit3A_283 : i32 to vector<16xi32>
      %select_n3A_285 = arith.select %eq3A_282, %get3A_21, %broadcast_in_dim3A_284 : vector<16xi1>, vector<16xi32>
      %reduce_sum3A_286 = arith.constant true
      %reduce_sum3A_287 = vector.broadcast %reduce_sum3A_286 : i1 to vector<16xi1>
      %reduce_sum3A_288 = tpu.scan <sum>, %select_n3A_285 masked %reduce_sum3A_287 : vector<16xi32>, vector<16xi1> -> vector<16xi32>
      %reduce_sum3A_289 = vector.extract %reduce_sum3A_288[15] : i32 from vector<16xi32>
      %mul3A_290 = arith.constant 16 : i32
      %mul3A_291 = arith.muli %add3A_18, %mul3A_290 : i32
      %add3A_292 = arith.constant 12 : i32
      %add3A_293 = arith.addi %mul3A_291, %add3A_292 : i32
      %dma_start3A_294 = arith.constant 0 : i32
      %dma_start3A_295 = tpu.memref_slice %arg6[%add3A_293, %dma_start3A_294] : memref<512x32xf32, #tpu.memory_space<vmem>> -> memref<1x32xf32, #tpu.memory_space<vmem>>
      %dma_start3A_296 = arith.constant 0 : i32
      %dma_start3A_297 = tpu.memref_slice %arg3[%reduce_sum3A_289, %dma_start3A_296] : memref<100000x32xf32, #tpu.memory_space<hbm>> -> memref<1x32xf32, #tpu.memory_space<hbm>>
      %dma_start3A_298 = arith.constant 0 : i32
      %dma_start3A_299 = tpu.memref_slice %arg6[%add3A_293, %dma_start3A_298] : memref<512x32xf32, #tpu.memory_space<vmem>> -> memref<1x32xf32, #tpu.memory_space<vmem>>
      %dma_start3A_300 = arith.constant 0 : i32
      %dma_start3A_301 = tpu.memref_slice %arg3[%reduce_sum3A_289, %dma_start3A_300] : memref<100000x32xf32, #tpu.memory_space<hbm>> -> memref<1x32xf32, #tpu.memory_space<hbm>>
      tpu.enqueue_dma source(%dma_start3A_301 : memref<1x32xf32, #tpu.memory_space<hbm>>) target(%dma_start3A_299 : memref<1x32xf32, #tpu.memory_space<vmem>>) target_semaphore(%arg7 : memref<!tpu.dma_semaphore, #tpu.memory_space<semaphore_mem>>)
      %eq3A_302 = arith.constant 13 : i32
      %eq3A_303 = vector.broadcast %eq3A_302 : i32 to vector<16xi32>
      %eq3A_304 = arith.cmpi eq, %iota3A, %eq3A_303 : vector<16xi32>
      %jit3A_305 = arith.constant 0 : i32
      %broadcast_in_dim3A_306 = vector.broadcast %jit3A_305 : i32 to vector<16xi32>
      %select_n3A_307 = arith.select %eq3A_304, %get3A_21, %broadcast_in_dim3A_306 : vector<16xi1>, vector<16xi32>
      %reduce_sum3A_308 = arith.constant true
      %reduce_sum3A_309 = vector.broadcast %reduce_sum3A_308 : i1 to vector<16xi1>
      %reduce_sum3A_310 = tpu.scan <sum>, %select_n3A_307 masked %reduce_sum3A_309 : vector<16xi32>, vector<16xi1> -> vector<16xi32>
      %reduce_sum3A_311 = vector.extract %reduce_sum3A_310[15] : i32 from vector<16xi32>
      %mul3A_312 = arith.constant 16 : i32
      %mul3A_313 = arith.muli %add3A_18, %mul3A_312 : i32
      %add3A_314 = arith.constant 13 : i32
      %add3A_315 = arith.addi %mul3A_313, %add3A_314 : i32
      %dma_start3A_316 = arith.constant 0 : i32
      %dma_start3A_317 = tpu.memref_slice %arg6[%add3A_315, %dma_start3A_316] : memref<512x32xf32, #tpu.memory_space<vmem>> -> memref<1x32xf32, #tpu.memory_space<vmem>>
      %dma_start3A_318 = arith.constant 0 : i32
      %dma_start3A_319 = tpu.memref_slice %arg3[%reduce_sum3A_311, %dma_start3A_318] : memref<100000x32xf32, #tpu.memory_space<hbm>> -> memref<1x32xf32, #tpu.memory_space<hbm>>
      %dma_start3A_320 = arith.constant 0 : i32
      %dma_start3A_321 = tpu.memref_slice %arg6[%add3A_315, %dma_start3A_320] : memref<512x32xf32, #tpu.memory_space<vmem>> -> memref<1x32xf32, #tpu.memory_space<vmem>>
      %dma_start3A_322 = arith.constant 0 : i32
      %dma_start3A_323 = tpu.memref_slice %arg3[%reduce_sum3A_311, %dma_start3A_322] : memref<100000x32xf32, #tpu.memory_space<hbm>> -> memref<1x32xf32, #tpu.memory_space<hbm>>
      tpu.enqueue_dma source(%dma_start3A_323 : memref<1x32xf32, #tpu.memory_space<hbm>>) target(%dma_start3A_321 : memref<1x32xf32, #tpu.memory_space<vmem>>) target_semaphore(%arg7 : memref<!tpu.dma_semaphore, #tpu.memory_space<semaphore_mem>>)
      %eq3A_324 = arith.constant 14 : i32
      %eq3A_325 = vector.broadcast %eq3A_324 : i32 to vector<16xi32>
      %eq3A_326 = arith.cmpi eq, %iota3A, %eq3A_325 : vector<16xi32>
      %jit3A_327 = arith.constant 0 : i32
      %broadcast_in_dim3A_328 = vector.broadcast %jit3A_327 : i32 to vector<16xi32>
      %select_n3A_329 = arith.select %eq3A_326, %get3A_21, %broadcast_in_dim3A_328 : vector<16xi1>, vector<16xi32>
      %reduce_sum3A_330 = arith.constant true
      %reduce_sum3A_331 = vector.broadcast %reduce_sum3A_330 : i1 to vector<16xi1>
      %reduce_sum3A_332 = tpu.scan <sum>, %select_n3A_329 masked %reduce_sum3A_331 : vector<16xi32>, vector<16xi1> -> vector<16xi32>
      %reduce_sum3A_333 = vector.extract %reduce_sum3A_332[15] : i32 from vector<16xi32>
      %mul3A_334 = arith.constant 16 : i32
      %mul3A_335 = arith.muli %add3A_18, %mul3A_334 : i32
      %add3A_336 = arith.constant 14 : i32
      %add3A_337 = arith.addi %mul3A_335, %add3A_336 : i32
      %dma_start3A_338 = arith.constant 0 : i32
      %dma_start3A_339 = tpu.memref_slice %arg6[%add3A_337, %dma_start3A_338] : memref<512x32xf32, #tpu.memory_space<vmem>> -> memref<1x32xf32, #tpu.memory_space<vmem>>
      %dma_start3A_340 = arith.constant 0 : i32
      %dma_start3A_341 = tpu.memref_slice %arg3[%reduce_sum3A_333, %dma_start3A_340] : memref<100000x32xf32, #tpu.memory_space<hbm>> -> memref<1x32xf32, #tpu.memory_space<hbm>>
      %dma_start3A_342 = arith.constant 0 : i32
      %dma_start3A_343 = tpu.memref_slice %arg6[%add3A_337, %dma_start3A_342] : memref<512x32xf32, #tpu.memory_space<vmem>> -> memref<1x32xf32, #tpu.memory_space<vmem>>
      %dma_start3A_344 = arith.constant 0 : i32
      %dma_start3A_345 = tpu.memref_slice %arg3[%reduce_sum3A_333, %dma_start3A_344] : memref<100000x32xf32, #tpu.memory_space<hbm>> -> memref<1x32xf32, #tpu.memory_space<hbm>>
      tpu.enqueue_dma source(%dma_start3A_345 : memref<1x32xf32, #tpu.memory_space<hbm>>) target(%dma_start3A_343 : memref<1x32xf32, #tpu.memory_space<vmem>>) target_semaphore(%arg7 : memref<!tpu.dma_semaphore, #tpu.memory_space<semaphore_mem>>)
      %eq3A_346 = arith.constant 15 : i32
      %eq3A_347 = vector.broadcast %eq3A_346 : i32 to vector<16xi32>
      %eq3A_348 = arith.cmpi eq, %iota3A, %eq3A_347 : vector<16xi32>
      %jit3A_349 = arith.constant 0 : i32
      %broadcast_in_dim3A_350 = vector.broadcast %jit3A_349 : i32 to vector<16xi32>
      %select_n3A_351 = arith.select %eq3A_348, %get3A_21, %broadcast_in_dim3A_350 : vector<16xi1>, vector<16xi32>
      %reduce_sum3A_352 = arith.constant true
      %reduce_sum3A_353 = vector.broadcast %reduce_sum3A_352 : i1 to vector<16xi1>
      %reduce_sum3A_354 = tpu.scan <sum>, %select_n3A_351 masked %reduce_sum3A_353 : vector<16xi32>, vector<16xi1> -> vector<16xi32>
      %reduce_sum3A_355 = vector.extract %reduce_sum3A_354[15] : i32 from vector<16xi32>
      %mul3A_356 = arith.constant 16 : i32
      %mul3A_357 = arith.muli %add3A_18, %mul3A_356 : i32
      %add3A_358 = arith.constant 15 : i32
      %add3A_359 = arith.addi %mul3A_357, %add3A_358 : i32
      %dma_start3A_360 = arith.constant 0 : i32
      %dma_start3A_361 = tpu.memref_slice %arg6[%add3A_359, %dma_start3A_360] : memref<512x32xf32, #tpu.memory_space<vmem>> -> memref<1x32xf32, #tpu.memory_space<vmem>>
      %dma_start3A_362 = arith.constant 0 : i32
      %dma_start3A_363 = tpu.memref_slice %arg3[%reduce_sum3A_355, %dma_start3A_362] : memref<100000x32xf32, #tpu.memory_space<hbm>> -> memref<1x32xf32, #tpu.memory_space<hbm>>
      %dma_start3A_364 = arith.constant 0 : i32
      %dma_start3A_365 = tpu.memref_slice %arg6[%add3A_359, %dma_start3A_364] : memref<512x32xf32, #tpu.memory_space<vmem>> -> memref<1x32xf32, #tpu.memory_space<vmem>>
      %dma_start3A_366 = arith.constant 0 : i32
      %dma_start3A_367 = tpu.memref_slice %arg3[%reduce_sum3A_355, %dma_start3A_366] : memref<100000x32xf32, #tpu.memory_space<hbm>> -> memref<1x32xf32, #tpu.memory_space<hbm>>
      tpu.enqueue_dma source(%dma_start3A_367 : memref<1x32xf32, #tpu.memory_space<hbm>>) target(%dma_start3A_365 : memref<1x32xf32, #tpu.memory_space<vmem>>) target_semaphore(%arg7 : memref<!tpu.dma_semaphore, #tpu.memory_space<semaphore_mem>>)
      %scan3A_368 = arith.constant 1 : i32
      %scan3A_369 = arith.addi %scan3A_14, %scan3A_368 : i32
      %mul3A_370 = arith.constant 1 : i32
      %mul3A_371 = arith.muli %scan3A_369, %mul3A_370 : i32
      %add3A_372 = arith.constant 0 : i32
      %add3A_373 = arith.addi %add3A_372, %mul3A_371 : i32
      %mul3A_374 = arith.constant 16 : i32
      %mul3A_375 = arith.muli %add3A_373, %mul3A_374 : i32
      %get3A_376 = arith.index_cast %mul3A_375 : i32 to index
      %get3A_377 = tpu.vector_load %arg5[%get3A_376] {strides = array<i32>} : memref<512xi32, #tpu.memory_space<vmem>>, vector<16xi32>,
      %eq3A_378 = arith.constant 0 : i32
      %eq3A_379 = vector.broadcast %eq3A_378 : i32 to vector<16xi32>
      %eq3A_380 = arith.cmpi eq, %iota3A, %eq3A_379 : vector<16xi32>
      %jit3A_381 = arith.constant 0 : i32
      %broadcast_in_dim3A_382 = vector.broadcast %jit3A_381 : i32 to vector<16xi32>
      %select_n3A_383 = arith.select %eq3A_380, %get3A_377, %broadcast_in_dim3A_382 : vector<16xi1>, vector<16xi32>
      %reduce_sum3A_384 = arith.constant true
      %reduce_sum3A_385 = vector.broadcast %reduce_sum3A_384 : i1 to vector<16xi1>
      %reduce_sum3A_386 = tpu.scan <sum>, %select_n3A_383 masked %reduce_sum3A_385 : vector<16xi32>, vector<16xi1> -> vector<16xi32>
      %reduce_sum3A_387 = vector.extract %reduce_sum3A_386[15] : i32 from vector<16xi32>
      %mul3A_388 = arith.constant 16 : i32
      %mul3A_389 = arith.muli %add3A_373, %mul3A_388 : i32
      %add3A_390 = arith.constant 0 : i32
      %add3A_391 = arith.addi %mul3A_389, %add3A_390 : i32
      %dma_start3A_392 = arith.constant 0 : i32
      %dma_start3A_393 = tpu.memref_slice %arg6[%add3A_391, %dma_start3A_392] : memref<512x32xf32, #tpu.memory_space<vmem>> -> memref<1x32xf32, #tpu.memory_space<vmem>>
      %dma_start3A_394 = arith.constant 0 : i32
      %dma_start3A_395 = tpu.memref_slice %arg3[%reduce_sum3A_387, %dma_start3A_394] : memref<100000x32xf32, #tpu.memory_space<hbm>> -> memref<1x32xf32, #tpu.memory_space<hbm>>
      %dma_start3A_396 = arith.constant 0 : i32
      %dma_start3A_397 = tpu.memref_slice %arg6[%add3A_391, %dma_start3A_396] : memref<512x32xf32, #tpu.memory_space<vmem>> -> memref<1x32xf32, #tpu.memory_space<vmem>>
      %dma_start3A_398 = arith.constant 0 : i32
      %dma_start3A_399 = tpu.memref_slice %arg3[%reduce_sum3A_387, %dma_start3A_398] : memref<100000x32xf32, #tpu.memory_space<hbm>> -> memref<1x32xf32, #tpu.memory_space<hbm>>
      tpu.enqueue_dma source(%dma_start3A_399 : memref<1x32xf32, #tpu.memory_space<hbm>>) target(%dma_start3A_397 : memref<1x32xf32, #tpu.memory_space<vmem>>) target_semaphore(%arg7 : memref<!tpu.dma_semaphore, #tpu.memory_space<semaphore_mem>>)
      %eq3A_400 = arith.constant 1 : i32
      %eq3A_401 = vector.broadcast %eq3A_400 : i32 to vector<16xi32>
      %eq3A_402 = arith.cmpi eq, %iota3A, %eq3A_401 : vector<16xi32>
      %jit3A_403 = arith.constant 0 : i32
      %broadcast_in_dim3A_404 = vector.broadcast %jit3A_403 : i32 to vector<16xi32>
      %select_n3A_405 = arith.select %eq3A_402, %get3A_377, %broadcast_in_dim3A_404 : vector<16xi1>, vector<16xi32>
      %reduce_sum3A_406 = arith.constant true
      %reduce_sum3A_407 = vector.broadcast %reduce_sum3A_406 : i1 to vector<16xi1>
      %reduce_sum3A_408 = tpu.scan <sum>, %select_n3A_405 masked %reduce_sum3A_407 : vector<16xi32>, vector<16xi1> -> vector<16xi32>
      %reduce_sum3A_409 = vector.extract %reduce_sum3A_408[15] : i32 from vector<16xi32>
      %mul3A_410 = arith.constant 16 : i32
      %mul3A_411 = arith.muli %add3A_373, %mul3A_410 : i32
      %add3A_412 = arith.constant 1 : i32
      %add3A_413 = arith.addi %mul3A_411, %add3A_412 : i32
      %dma_start3A_414 = arith.constant 0 : i32
      %dma_start3A_415 = tpu.memref_slice %arg6[%add3A_413, %dma_start3A_414] : memref<512x32xf32, #tpu.memory_space<vmem>> -> memref<1x32xf32, #tpu.memory_space<vmem>>
      %dma_start3A_416 = arith.constant 0 : i32
      %dma_start3A_417 = tpu.memref_slice %arg3[%reduce_sum3A_409, %dma_start3A_416] : memref<100000x32xf32, #tpu.memory_space<hbm>> -> memref<1x32xf32, #tpu.memory_space<hbm>>
      %dma_start3A_418 = arith.constant 0 : i32
      %dma_start3A_419 = tpu.memref_slice %arg6[%add3A_413, %dma_start3A_418] : memref<512x32xf32, #tpu.memory_space<vmem>> -> memref<1x32xf32, #tpu.memory_space<vmem>>
      %dma_start3A_420 = arith.constant 0 : i32
      %dma_start3A_421 = tpu.memref_slice %arg3[%reduce_sum3A_409, %dma_start3A_420] : memref<100000x32xf32, #tpu.memory_space<hbm>> -> memref<1x32xf32, #tpu.memory_space<hbm>>
      tpu.enqueue_dma source(%dma_start3A_421 : memref<1x32xf32, #tpu.memory_space<hbm>>) target(%dma_start3A_419 : memref<1x32xf32, #tpu.memory_space<vmem>>) target_semaphore(%arg7 : memref<!tpu.dma_semaphore, #tpu.memory_space<semaphore_mem>>)
      %eq3A_422 = arith.constant 2 : i32
      %eq3A_423 = vector.broadcast %eq3A_422 : i32 to vector<16xi32>
      %eq3A_424 = arith.cmpi eq, %iota3A, %eq3A_423 : vector<16xi32>
      %jit3A_425 = arith.constant 0 : i32
      %broadcast_in_dim3A_426 = vector.broadcast %jit3A_425 : i32 to vector<16xi32>
      %select_n3A_427 = arith.select %eq3A_424, %get3A_377, %broadcast_in_dim3A_426 : vector<16xi1>, vector<16xi32>
      %reduce_sum3A_428 = arith.constant true
      %reduce_sum3A_429 = vector.broadcast %reduce_sum3A_428 : i1 to vector<16xi1>
      %reduce_sum3A_430 = tpu.scan <sum>, %select_n3A_427 masked %reduce_sum3A_429 : vector<16xi32>, vector<16xi1> -> vector<16xi32>
      %reduce_sum3A_431 = vector.extract %reduce_sum3A_430[15] : i32 from vector<16xi32>
      %mul3A_432 = arith.constant 16 : i32
      %mul3A_433 = arith.muli %add3A_373, %mul3A_432 : i32
      %add3A_434 = arith.constant 2 : i32
      %add3A_435 = arith.addi %mul3A_433, %add3A_434 : i32
      %dma_start3A_436 = arith.constant 0 : i32
      %dma_start3A_437 = tpu.memref_slice %arg6[%add3A_435, %dma_start3A_436] : memref<512x32xf32, #tpu.memory_space<vmem>> -> memref<1x32xf32, #tpu.memory_space<vmem>>
      %dma_start3A_438 = arith.constant 0 : i32
      %dma_start3A_439 = tpu.memref_slice %arg3[%reduce_sum3A_431, %dma_start3A_438] : memref<100000x32xf32, #tpu.memory_space<hbm>> -> memref<1x32xf32, #tpu.memory_space<hbm>>
      %dma_start3A_440 = arith.constant 0 : i32
      %dma_start3A_441 = tpu.memref_slice %arg6[%add3A_435, %dma_start3A_440] : memref<512x32xf32, #tpu.memory_space<vmem>> -> memref<1x32xf32, #tpu.memory_space<vmem>>
      %dma_start3A_442 = arith.constant 0 : i32
      %dma_start3A_443 = tpu.memref_slice %arg3[%reduce_sum3A_431, %dma_start3A_442] : memref<100000x32xf32, #tpu.memory_space<hbm>> -> memref<1x32xf32, #tpu.memory_space<hbm>>
      tpu.enqueue_dma source(%dma_start3A_443 : memref<1x32xf32, #tpu.memory_space<hbm>>) target(%dma_start3A_441 : memref<1x32xf32, #tpu.memory_space<vmem>>) target_semaphore(%arg7 : memref<!tpu.dma_semaphore, #tpu.memory_space<semaphore_mem>>)
      %eq3A_444 = arith.constant 3 : i32
      %eq3A_445 = vector.broadcast %eq3A_444 : i32 to vector<16xi32>
      %eq3A_446 = arith.cmpi eq, %iota3A, %eq3A_445 : vector<16xi32>
      %jit3A_447 = arith.constant 0 : i32
      %broadcast_in_dim3A_448 = vector.broadcast %jit3A_447 : i32 to vector<16xi32>
      %select_n3A_449 = arith.select %eq3A_446, %get3A_377, %broadcast_in_dim3A_448 : vector<16xi1>, vector<16xi32>
      %reduce_sum3A_450 = arith.constant true
      %reduce_sum3A_451 = vector.broadcast %reduce_sum3A_450 : i1 to vector<16xi1>
      %reduce_sum3A_452 = tpu.scan <sum>, %select_n3A_449 masked %reduce_sum3A_451 : vector<16xi32>, vector<16xi1> -> vector<16xi32>
      %reduce_sum3A_453 = vector.extract %reduce_sum3A_452[15] : i32 from vector<16xi32>
      %mul3A_454 = arith.constant 16 : i32
      %mul3A_455 = arith.muli %add3A_373, %mul3A_454 : i32
      %add3A_456 = arith.constant 3 : i32
      %add3A_457 = arith.addi %mul3A_455, %add3A_456 : i32
      %dma_start3A_458 = arith.constant 0 : i32
      %dma_start3A_459 = tpu.memref_slice %arg6[%add3A_457, %dma_start3A_458] : memref<512x32xf32, #tpu.memory_space<vmem>> -> memref<1x32xf32, #tpu.memory_space<vmem>>
      %dma_start3A_460 = arith.constant 0 : i32
      %dma_start3A_461 = tpu.memref_slice %arg3[%reduce_sum3A_453, %dma_start3A_460] : memref<100000x32xf32, #tpu.memory_space<hbm>> -> memref<1x32xf32, #tpu.memory_space<hbm>>
      %dma_start3A_462 = arith.constant 0 : i32
      %dma_start3A_463 = tpu.memref_slice %arg6[%add3A_457, %dma_start3A_462] : memref<512x32xf32, #tpu.memory_space<vmem>> -> memref<1x32xf32, #tpu.memory_space<vmem>>
      %dma_start3A_464 = arith.constant 0 : i32
      %dma_start3A_465 = tpu.memref_slice %arg3[%reduce_sum3A_453, %dma_start3A_464] : memref<100000x32xf32, #tpu.memory_space<hbm>> -> memref<1x32xf32, #tpu.memory_space<hbm>>
      tpu.enqueue_dma source(%dma_start3A_465 : memref<1x32xf32, #tpu.memory_space<hbm>>) target(%dma_start3A_463 : memref<1x32xf32, #tpu.memory_space<vmem>>) target_semaphore(%arg7 : memref<!tpu.dma_semaphore, #tpu.memory_space<semaphore_mem>>)
      %eq3A_466 = arith.constant 4 : i32
      %eq3A_467 = vector.broadcast %eq3A_466 : i32 to vector<16xi32>
      %eq3A_468 = arith.cmpi eq, %iota3A, %eq3A_467 : vector<16xi32>
      %jit3A_469 = arith.constant 0 : i32
      %broadcast_in_dim3A_470 = vector.broadcast %jit3A_469 : i32 to vector<16xi32>
      %select_n3A_471 = arith.select %eq3A_468, %get3A_377, %broadcast_in_dim3A_470 : vector<16xi1>, vector<16xi32>
      %reduce_sum3A_472 = arith.constant true
      %reduce_sum3A_473 = vector.broadcast %reduce_sum3A_472 : i1 to vector<16xi1>
      %reduce_sum3A_474 = tpu.scan <sum>, %select_n3A_471 masked %reduce_sum3A_473 : vector<16xi32>, vector<16xi1> -> vector<16xi32>
      %reduce_sum3A_475 = vector.extract %reduce_sum3A_474[15] : i32 from vector<16xi32>
      %mul3A_476 = arith.constant 16 : i32
      %mul3A_477 = arith.muli %add3A_373, %mul3A_476 : i32
      %add3A_478 = arith.constant 4 : i32
      %add3A_479 = arith.addi %mul3A_477, %add3A_478 : i32
      %dma_start3A_480 = arith.constant 0 : i32
      %dma_start3A_481 = tpu.memref_slice %arg6[%add3A_479, %dma_start3A_480] : memref<512x32xf32, #tpu.memory_space<vmem>> -> memref<1x32xf32, #tpu.memory_space<vmem>>
      %dma_start3A_482 = arith.constant 0 : i32
      %dma_start3A_483 = tpu.memref_slice %arg3[%reduce_sum3A_475, %dma_start3A_482] : memref<100000x32xf32, #tpu.memory_space<hbm>> -> memref<1x32xf32, #tpu.memory_space<hbm>>
      %dma_start3A_484 = arith.constant 0 : i32
      %dma_start3A_485 = tpu.memref_slice %arg6[%add3A_479, %dma_start3A_484] : memref<512x32xf32, #tpu.memory_space<vmem>> -> memref<1x32xf32, #tpu.memory_space<vmem>>
      %dma_start3A_486 = arith.constant 0 : i32
      %dma_start3A_487 = tpu.memref_slice %arg3[%reduce_sum3A_475, %dma_start3A_486] : memref<100000x32xf32, #tpu.memory_space<hbm>> -> memref<1x32xf32, #tpu.memory_space<hbm>>
      tpu.enqueue_dma source(%dma_start3A_487 : memref<1x32xf32, #tpu.memory_space<hbm>>) target(%dma_start3A_485 : memref<1x32xf32, #tpu.memory_space<vmem>>) target_semaphore(%arg7 : memref<!tpu.dma_semaphore, #tpu.memory_space<semaphore_mem>>)
      %eq3A_488 = arith.constant 5 : i32
      %eq3A_489 = vector.broadcast %eq3A_488 : i32 to vector<16xi32>
      %eq3A_490 = arith.cmpi eq, %iota3A, %eq3A_489 : vector<16xi32>
      %jit3A_491 = arith.constant 0 : i32
      %broadcast_in_dim3A_492 = vector.broadcast %jit3A_491 : i32 to vector<16xi32>
      %select_n3A_493 = arith.select %eq3A_490, %get3A_377, %broadcast_in_dim3A_492 : vector<16xi1>, vector<16xi32>
      %reduce_sum3A_494 = arith.constant true
      %reduce_sum3A_495 = vector.broadcast %reduce_sum3A_494 : i1 to vector<16xi1>
      %reduce_sum3A_496 = tpu.scan <sum>, %select_n3A_493 masked %reduce_sum3A_495 : vector<16xi32>, vector<16xi1> -> vector<16xi32>
      %reduce_sum3A_497 = vector.extract %reduce_sum3A_496[15] : i32 from vector<16xi32>
      %mul3A_498 = arith.constant 16 : i32
      %mul3A_499 = arith.muli %add3A_373, %mul3A_498 : i32
      %add3A_500 = arith.constant 5 : i32
      %add3A_501 = arith.addi %mul3A_499, %add3A_500 : i32
      %dma_start3A_502 = arith.constant 0 : i32
      %dma_start3A_503 = tpu.memref_slice %arg6[%add3A_501, %dma_start3A_502] : memref<512x32xf32, #tpu.memory_space<vmem>> -> memref<1x32xf32, #tpu.memory_space<vmem>>
      %dma_start3A_504 = arith.constant 0 : i32
      %dma_start3A_505 = tpu.memref_slice %arg3[%reduce_sum3A_497, %dma_start3A_504] : memref<100000x32xf32, #tpu.memory_space<hbm>> -> memref<1x32xf32, #tpu.memory_space<hbm>>
      %dma_start3A_506 = arith.constant 0 : i32
      %dma_start3A_507 = tpu.memref_slice %arg6[%add3A_501, %dma_start3A_506] : memref<512x32xf32, #tpu.memory_space<vmem>> -> memref<1x32xf32, #tpu.memory_space<vmem>>
      %dma_start3A_508 = arith.constant 0 : i32
      %dma_start3A_509 = tpu.memref_slice %arg3[%reduce_sum3A_497, %dma_start3A_508] : memref<100000x32xf32, #tpu.memory_space<hbm>> -> memref<1x32xf32, #tpu.memory_space<hbm>>
      tpu.enqueue_dma source(%dma_start3A_509 : memref<1x32xf32, #tpu.memory_space<hbm>>) target(%dma_start3A_507 : memref<1x32xf32, #tpu.memory_space<vmem>>) target_semaphore(%arg7 : memref<!tpu.dma_semaphore, #tpu.memory_space<semaphore_mem>>)
      %eq3A_510 = arith.constant 6 : i32
      %eq3A_511 = vector.broadcast %eq3A_510 : i32 to vector<16xi32>
      %eq3A_512 = arith.cmpi eq, %iota3A, %eq3A_511 : vector<16xi32>
      %jit3A_513 = arith.constant 0 : i32
      %broadcast_in_dim3A_514 = vector.broadcast %jit3A_513 : i32 to vector<16xi32>
      %select_n3A_515 = arith.select %eq3A_512, %get3A_377, %broadcast_in_dim3A_514 : vector<16xi1>, vector<16xi32>
      %reduce_sum3A_516 = arith.constant true
      %reduce_sum3A_517 = vector.broadcast %reduce_sum3A_516 : i1 to vector<16xi1>
      %reduce_sum3A_518 = tpu.scan <sum>, %select_n3A_515 masked %reduce_sum3A_517 : vector<16xi32>, vector<16xi1> -> vector<16xi32>
      %reduce_sum3A_519 = vector.extract %reduce_sum3A_518[15] : i32 from vector<16xi32>
      %mul3A_520 = arith.constant 16 : i32
      %mul3A_521 = arith.muli %add3A_373, %mul3A_520 : i32
      %add3A_522 = arith.constant 6 : i32
      %add3A_523 = arith.addi %mul3A_521, %add3A_522 : i32
      %dma_start3A_524 = arith.constant 0 : i32
      %dma_start3A_525 = tpu.memref_slice %arg6[%add3A_523, %dma_start3A_524] : memref<512x32xf32, #tpu.memory_space<vmem>> -> memref<1x32xf32, #tpu.memory_space<vmem>>
      %dma_start3A_526 = arith.constant 0 : i32
      %dma_start3A_527 = tpu.memref_slice %arg3[%reduce_sum3A_519, %dma_start3A_526] : memref<100000x32xf32, #tpu.memory_space<hbm>> -> memref<1x32xf32, #tpu.memory_space<hbm>>
      %dma_start3A_528 = arith.constant 0 : i32
      %dma_start3A_529 = tpu.memref_slice %arg6[%add3A_523, %dma_start3A_528] : memref<512x32xf32, #tpu.memory_space<vmem>> -> memref<1x32xf32, #tpu.memory_space<vmem>>
      %dma_start3A_530 = arith.constant 0 : i32
      %dma_start3A_531 = tpu.memref_slice %arg3[%reduce_sum3A_519, %dma_start3A_530] : memref<100000x32xf32, #tpu.memory_space<hbm>> -> memref<1x32xf32, #tpu.memory_space<hbm>>
      tpu.enqueue_dma source(%dma_start3A_531 : memref<1x32xf32, #tpu.memory_space<hbm>>) target(%dma_start3A_529 : memref<1x32xf32, #tpu.memory_space<vmem>>) target_semaphore(%arg7 : memref<!tpu.dma_semaphore, #tpu.memory_space<semaphore_mem>>)
      %eq3A_532 = arith.constant 7 : i32
      %eq3A_533 = vector.broadcast %eq3A_532 : i32 to vector<16xi32>
      %eq3A_534 = arith.cmpi eq, %iota3A, %eq3A_533 : vector<16xi32>
      %jit3A_535 = arith.constant 0 : i32
      %broadcast_in_dim3A_536 = vector.broadcast %jit3A_535 : i32 to vector<16xi32>
      %select_n3A_537 = arith.select %eq3A_534, %get3A_377, %broadcast_in_dim3A_536 : vector<16xi1>, vector<16xi32>
      %reduce_sum3A_538 = arith.constant true
      %reduce_sum3A_539 = vector.broadcast %reduce_sum3A_538 : i1 to vector<16xi1>
      %reduce_sum3A_540 = tpu.scan <sum>, %select_n3A_537 masked %reduce_sum3A_539 : vector<16xi32>, vector<16xi1> -> vector<16xi32>
      %reduce_sum3A_541 = vector.extract %reduce_sum3A_540[15] : i32 from vector<16xi32>
      %mul3A_542 = arith.constant 16 : i32
      %mul3A_543 = arith.muli %add3A_373, %mul3A_542 : i32
      %add3A_544 = arith.constant 7 : i32
      %add3A_545 = arith.addi %mul3A_543, %add3A_544 : i32
      %dma_start3A_546 = arith.constant 0 : i32
      %dma_start3A_547 = tpu.memref_slice %arg6[%add3A_545, %dma_start3A_546] : memref<512x32xf32, #tpu.memory_space<vmem>> -> memref<1x32xf32, #tpu.memory_space<vmem>>
      %dma_start3A_548 = arith.constant 0 : i32
      %dma_start3A_549 = tpu.memref_slice %arg3[%reduce_sum3A_541, %dma_start3A_548] : memref<100000x32xf32, #tpu.memory_space<hbm>> -> memref<1x32xf32, #tpu.memory_space<hbm>>
      %dma_start3A_550 = arith.constant 0 : i32
      %dma_start3A_551 = tpu.memref_slice %arg6[%add3A_545, %dma_start3A_550] : memref<512x32xf32, #tpu.memory_space<vmem>> -> memref<1x32xf32, #tpu.memory_space<vmem>>
      %dma_start3A_552 = arith.constant 0 : i32
      %dma_start3A_553 = tpu.memref_slice %arg3[%reduce_sum3A_541, %dma_start3A_552] : memref<100000x32xf32, #tpu.memory_space<hbm>> -> memref<1x32xf32, #tpu.memory_space<hbm>>
      tpu.enqueue_dma source(%dma_start3A_553 : memref<1x32xf32, #tpu.memory_space<hbm>>) target(%dma_start3A_551 : memref<1x32xf32, #tpu.memory_space<vmem>>) target_semaphore(%arg7 : memref<!tpu.dma_semaphore, #tpu.memory_space<semaphore_mem>>)
      %eq3A_554 = arith.constant 8 : i32
      %eq3A_555 = vector.broadcast %eq3A_554 : i32 to vector<16xi32>
      %eq3A_556 = arith.cmpi eq, %iota3A, %eq3A_555 : vector<16xi32>
      %jit3A_557 = arith.constant 0 : i32
      %broadcast_in_dim3A_558 = vector.broadcast %jit3A_557 : i32 to vector<16xi32>
      %select_n3A_559 = arith.select %eq3A_556, %get3A_377, %broadcast_in_dim3A_558 : vector<16xi1>, vector<16xi32>
      %reduce_sum3A_560 = arith.constant true
      %reduce_sum3A_561 = vector.broadcast %reduce_sum3A_560 : i1 to vector<16xi1>
      %reduce_sum3A_562 = tpu.scan <sum>, %select_n3A_559 masked %reduce_sum3A_561 : vector<16xi32>, vector<16xi1> -> vector<16xi32>
      %reduce_sum3A_563 = vector.extract %reduce_sum3A_562[15] : i32 from vector<16xi32>
      %mul3A_564 = arith.constant 16 : i32
      %mul3A_565 = arith.muli %add3A_373, %mul3A_564 : i32
      %add3A_566 = arith.constant 8 : i32
      %add3A_567 = arith.addi %mul3A_565, %add3A_566 : i32
      %dma_start3A_568 = arith.constant 0 : i32
      %dma_start3A_569 = tpu.memref_slice %arg6[%add3A_567, %dma_start3A_568] : memref<512x32xf32, #tpu.memory_space<vmem>> -> memref<1x32xf32, #tpu.memory_space<vmem>>
      %dma_start3A_570 = arith.constant 0 : i32
      %dma_start3A_571 = tpu.memref_slice %arg3[%reduce_sum3A_563, %dma_start3A_570] : memref<100000x32xf32, #tpu.memory_space<hbm>> -> memref<1x32xf32, #tpu.memory_space<hbm>>
      %dma_start3A_572 = arith.constant 0 : i32
      %dma_start3A_573 = tpu.memref_slice %arg6[%add3A_567, %dma_start3A_572] : memref<512x32xf32, #tpu.memory_space<vmem>> -> memref<1x32xf32, #tpu.memory_space<vmem>>
      %dma_start3A_574 = arith.constant 0 : i32
      %dma_start3A_575 = tpu.memref_slice %arg3[%reduce_sum3A_563, %dma_start3A_574] : memref<100000x32xf32, #tpu.memory_space<hbm>> -> memref<1x32xf32, #tpu.memory_space<hbm>>
      tpu.enqueue_dma source(%dma_start3A_575 : memref<1x32xf32, #tpu.memory_space<hbm>>) target(%dma_start3A_573 : memref<1x32xf32, #tpu.memory_space<vmem>>) target_semaphore(%arg7 : memref<!tpu.dma_semaphore, #tpu.memory_space<semaphore_mem>>)
      %eq3A_576 = arith.constant 9 : i32
      %eq3A_577 = vector.broadcast %eq3A_576 : i32 to vector<16xi32>
      %eq3A_578 = arith.cmpi eq, %iota3A, %eq3A_577 : vector<16xi32>
      %jit3A_579 = arith.constant 0 : i32
      %broadcast_in_dim3A_580 = vector.broadcast %jit3A_579 : i32 to vector<16xi32>
      %select_n3A_581 = arith.select %eq3A_578, %get3A_377, %broadcast_in_dim3A_580 : vector<16xi1>, vector<16xi32>
      %reduce_sum3A_582 = arith.constant true
      %reduce_sum3A_583 = vector.broadcast %reduce_sum3A_582 : i1 to vector<16xi1>
      %reduce_sum3A_584 = tpu.scan <sum>, %select_n3A_581 masked %reduce_sum3A_583 : vector<16xi32>, vector<16xi1> -> vector<16xi32>
      %reduce_sum3A_585 = vector.extract %reduce_sum3A_584[15] : i32 from vector<16xi32>
      %mul3A_586 = arith.constant 16 : i32
      %mul3A_587 = arith.muli %add3A_373, %mul3A_586 : i32
      %add3A_588 = arith.constant 9 : i32
      %add3A_589 = arith.addi %mul3A_587, %add3A_588 : i32
      %dma_start3A_590 = arith.constant 0 : i32
      %dma_start3A_591 = tpu.memref_slice %arg6[%add3A_589, %dma_start3A_590] : memref<512x32xf32, #tpu.memory_space<vmem>> -> memref<1x32xf32, #tpu.memory_space<vmem>>
      %dma_start3A_592 = arith.constant 0 : i32
      %dma_start3A_593 = tpu.memref_slice %arg3[%reduce_sum3A_585, %dma_start3A_592] : memref<100000x32xf32, #tpu.memory_space<hbm>> -> memref<1x32xf32, #tpu.memory_space<hbm>>
      %dma_start3A_594 = arith.constant 0 : i32
      %dma_start3A_595 = tpu.memref_slice %arg6[%add3A_589, %dma_start3A_594] : memref<512x32xf32, #tpu.memory_space<vmem>> -> memref<1x32xf32, #tpu.memory_space<vmem>>
      %dma_start3A_596 = arith.constant 0 : i32
      %dma_start3A_597 = tpu.memref_slice %arg3[%reduce_sum3A_585, %dma_start3A_596] : memref<100000x32xf32, #tpu.memory_space<hbm>> -> memref<1x32xf32, #tpu.memory_space<hbm>>
      tpu.enqueue_dma source(%dma_start3A_597 : memref<1x32xf32, #tpu.memory_space<hbm>>) target(%dma_start3A_595 : memref<1x32xf32, #tpu.memory_space<vmem>>) target_semaphore(%arg7 : memref<!tpu.dma_semaphore, #tpu.memory_space<semaphore_mem>>)
      %eq3A_598 = arith.constant 10 : i32
      %eq3A_599 = vector.broadcast %eq3A_598 : i32 to vector<16xi32>
      %eq3A_600 = arith.cmpi eq, %iota3A, %eq3A_599 : vector<16xi32>
      %jit3A_601 = arith.constant 0 : i32
      %broadcast_in_dim3A_602 = vector.broadcast %jit3A_601 : i32 to vector<16xi32>
      %select_n3A_603 = arith.select %eq3A_600, %get3A_377, %broadcast_in_dim3A_602 : vector<16xi1>, vector<16xi32>
      %reduce_sum3A_604 = arith.constant true
      %reduce_sum3A_605 = vector.broadcast %reduce_sum3A_604 : i1 to vector<16xi1>
      %reduce_sum3A_606 = tpu.scan <sum>, %select_n3A_603 masked %reduce_sum3A_605 : vector<16xi32>, vector<16xi1> -> vector<16xi32>
      %reduce_sum3A_607 = vector.extract %reduce_sum3A_606[15] : i32 from vector<16xi32>
      %mul3A_608 = arith.constant 16 : i32
      %mul3A_609 = arith.muli %add3A_373, %mul3A_608 : i32
      %add3A_610 = arith.constant 10 : i32
      %add3A_611 = arith.addi %mul3A_609, %add3A_610 : i32
      %dma_start3A_612 = arith.constant 0 : i32
      %dma_start3A_613 = tpu.memref_slice %arg6[%add3A_611, %dma_start3A_612] : memref<512x32xf32, #tpu.memory_space<vmem>> -> memref<1x32xf32, #tpu.memory_space<vmem>>
      %dma_start3A_614 = arith.constant 0 : i32
      %dma_start3A_615 = tpu.memref_slice %arg3[%reduce_sum3A_607, %dma_start3A_614] : memref<100000x32xf32, #tpu.memory_space<hbm>> -> memref<1x32xf32, #tpu.memory_space<hbm>>
      %dma_start3A_616 = arith.constant 0 : i32
      %dma_start3A_617 = tpu.memref_slice %arg6[%add3A_611, %dma_start3A_616] : memref<512x32xf32, #tpu.memory_space<vmem>> -> memref<1x32xf32, #tpu.memory_space<vmem>>
      %dma_start3A_618 = arith.constant 0 : i32
      %dma_start3A_619 = tpu.memref_slice %arg3[%reduce_sum3A_607, %dma_start3A_618] : memref<100000x32xf32, #tpu.memory_space<hbm>> -> memref<1x32xf32, #tpu.memory_space<hbm>>
      tpu.enqueue_dma source(%dma_start3A_619 : memref<1x32xf32, #tpu.memory_space<hbm>>) target(%dma_start3A_617 : memref<1x32xf32, #tpu.memory_space<vmem>>) target_semaphore(%arg7 : memref<!tpu.dma_semaphore, #tpu.memory_space<semaphore_mem>>)
      %eq3A_620 = arith.constant 11 : i32
      %eq3A_621 = vector.broadcast %eq3A_620 : i32 to vector<16xi32>
      %eq3A_622 = arith.cmpi eq, %iota3A, %eq3A_621 : vector<16xi32>
      %jit3A_623 = arith.constant 0 : i32
      %broadcast_in_dim3A_624 = vector.broadcast %jit3A_623 : i32 to vector<16xi32>
      %select_n3A_625 = arith.select %eq3A_622, %get3A_377, %broadcast_in_dim3A_624 : vector<16xi1>, vector<16xi32>
      %reduce_sum3A_626 = arith.constant true
      %reduce_sum3A_627 = vector.broadcast %reduce_sum3A_626 : i1 to vector<16xi1>
      %reduce_sum3A_628 = tpu.scan <sum>, %select_n3A_625 masked %reduce_sum3A_627 : vector<16xi32>, vector<16xi1> -> vector<16xi32>
      %reduce_sum3A_629 = vector.extract %reduce_sum3A_628[15] : i32 from vector<16xi32>
      %mul3A_630 = arith.constant 16 : i32
      %mul3A_631 = arith.muli %add3A_373, %mul3A_630 : i32
      %add3A_632 = arith.constant 11 : i32
      %add3A_633 = arith.addi %mul3A_631, %add3A_632 : i32
      %dma_start3A_634 = arith.constant 0 : i32
      %dma_start3A_635 = tpu.memref_slice %arg6[%add3A_633, %dma_start3A_634] : memref<512x32xf32, #tpu.memory_space<vmem>> -> memref<1x32xf32, #tpu.memory_space<vmem>>
      %dma_start3A_636 = arith.constant 0 : i32
      %dma_start3A_637 = tpu.memref_slice %arg3[%reduce_sum3A_629, %dma_start3A_636] : memref<100000x32xf32, #tpu.memory_space<hbm>> -> memref<1x32xf32, #tpu.memory_space<hbm>>
      %dma_start3A_638 = arith.constant 0 : i32
      %dma_start3A_639 = tpu.memref_slice %arg6[%add3A_633, %dma_start3A_638] : memref<512x32xf32, #tpu.memory_space<vmem>> -> memref<1x32xf32, #tpu.memory_space<vmem>>
      %dma_start3A_640 = arith.constant 0 : i32
      %dma_start3A_641 = tpu.memref_slice %arg3[%reduce_sum3A_629, %dma_start3A_640] : memref<100000x32xf32, #tpu.memory_space<hbm>> -> memref<1x32xf32, #tpu.memory_space<hbm>>
      tpu.enqueue_dma source(%dma_start3A_641 : memref<1x32xf32, #tpu.memory_space<hbm>>) target(%dma_start3A_639 : memref<1x32xf32, #tpu.memory_space<vmem>>) target_semaphore(%arg7 : memref<!tpu.dma_semaphore, #tpu.memory_space<semaphore_mem>>)
      %eq3A_642 = arith.constant 12 : i32
      %eq3A_643 = vector.broadcast %eq3A_642 : i32 to vector<16xi32>
      %eq3A_644 = arith.cmpi eq, %iota3A, %eq3A_643 : vector<16xi32>
      %jit3A_645 = arith.constant 0 : i32
      %broadcast_in_dim3A_646 = vector.broadcast %jit3A_645 : i32 to vector<16xi32>
      %select_n3A_647 = arith.select %eq3A_644, %get3A_377, %broadcast_in_dim3A_646 : vector<16xi1>, vector<16xi32>
      %reduce_sum3A_648 = arith.constant true
      %reduce_sum3A_649 = vector.broadcast %reduce_sum3A_648 : i1 to vector<16xi1>
      %reduce_sum3A_650 = tpu.scan <sum>, %select_n3A_647 masked %reduce_sum3A_649 : vector<16xi32>, vector<16xi1> -> vector<16xi32>
      %reduce_sum3A_651 = vector.extract %reduce_sum3A_650[15] : i32 from vector<16xi32>
      %mul3A_652 = arith.constant 16 : i32
      %mul3A_653 = arith.muli %add3A_373, %mul3A_652 : i32
      %add3A_654 = arith.constant 12 : i32
      %add3A_655 = arith.addi %mul3A_653, %add3A_654 : i32
      %dma_start3A_656 = arith.constant 0 : i32
      %dma_start3A_657 = tpu.memref_slice %arg6[%add3A_655, %dma_start3A_656] : memref<512x32xf32, #tpu.memory_space<vmem>> -> memref<1x32xf32, #tpu.memory_space<vmem>>
      %dma_start3A_658 = arith.constant 0 : i32
      %dma_start3A_659 = tpu.memref_slice %arg3[%reduce_sum3A_651, %dma_start3A_658] : memref<100000x32xf32, #tpu.memory_space<hbm>> -> memref<1x32xf32, #tpu.memory_space<hbm>>
      %dma_start3A_660 = arith.constant 0 : i32
      %dma_start3A_661 = tpu.memref_slice %arg6[%add3A_655, %dma_start3A_660] : memref<512x32xf32, #tpu.memory_space<vmem>> -> memref<1x32xf32, #tpu.memory_space<vmem>>
      %dma_start3A_662 = arith.constant 0 : i32
      %dma_start3A_663 = tpu.memref_slice %arg3[%reduce_sum3A_651, %dma_start3A_662] : memref<100000x32xf32, #tpu.memory_space<hbm>> -> memref<1x32xf32, #tpu.memory_space<hbm>>
      tpu.enqueue_dma source(%dma_start3A_663 : memref<1x32xf32, #tpu.memory_space<hbm>>) target(%dma_start3A_661 : memref<1x32xf32, #tpu.memory_space<vmem>>) target_semaphore(%arg7 : memref<!tpu.dma_semaphore, #tpu.memory_space<semaphore_mem>>)
      %eq3A_664 = arith.constant 13 : i32
      %eq3A_665 = vector.broadcast %eq3A_664 : i32 to vector<16xi32>
      %eq3A_666 = arith.cmpi eq, %iota3A, %eq3A_665 : vector<16xi32>
      %jit3A_667 = arith.constant 0 : i32
      %broadcast_in_dim3A_668 = vector.broadcast %jit3A_667 : i32 to vector<16xi32>
      %select_n3A_669 = arith.select %eq3A_666, %get3A_377, %broadcast_in_dim3A_668 : vector<16xi1>, vector<16xi32>
      %reduce_sum3A_670 = arith.constant true
      %reduce_sum3A_671 = vector.broadcast %reduce_sum3A_670 : i1 to vector<16xi1>
      %reduce_sum3A_672 = tpu.scan <sum>, %select_n3A_669 masked %reduce_sum3A_671 : vector<16xi32>, vector<16xi1> -> vector<16xi32>
      %reduce_sum3A_673 = vector.extract %reduce_sum3A_672[15] : i32 from vector<16xi32>
      %mul3A_674 = arith.constant 16 : i32
      %mul3A_675 = arith.muli %add3A_373, %mul3A_674 : i32
      %add3A_676 = arith.constant 13 : i32
      %add3A_677 = arith.addi %mul3A_675, %add3A_676 : i32
      %dma_start3A_678 = arith.constant 0 : i32
      %dma_start3A_679 = tpu.memref_slice %arg6[%add3A_677, %dma_start3A_678] : memref<512x32xf32, #tpu.memory_space<vmem>> -> memref<1x32xf32, #tpu.memory_space<vmem>>
      %dma_start3A_680 = arith.constant 0 : i32
      %dma_start3A_681 = tpu.memref_slice %arg3[%reduce_sum3A_673, %dma_start3A_680] : memref<100000x32xf32, #tpu.memory_space<hbm>> -> memref<1x32xf32, #tpu.memory_space<hbm>>
      %dma_start3A_682 = arith.constant 0 : i32
      %dma_start3A_683 = tpu.memref_slice %arg6[%add3A_677, %dma_start3A_682] : memref<512x32xf32, #tpu.memory_space<vmem>> -> memref<1x32xf32, #tpu.memory_space<vmem>>
      %dma_start3A_684 = arith.constant 0 : i32
      %dma_start3A_685 = tpu.memref_slice %arg3[%reduce_sum3A_673, %dma_start3A_684] : memref<100000x32xf32, #tpu.memory_space<hbm>> -> memref<1x32xf32, #tpu.memory_space<hbm>>
      tpu.enqueue_dma source(%dma_start3A_685 : memref<1x32xf32, #tpu.memory_space<hbm>>) target(%dma_start3A_683 : memref<1x32xf32, #tpu.memory_space<vmem>>) target_semaphore(%arg7 : memref<!tpu.dma_semaphore, #tpu.memory_space<semaphore_mem>>)
      %eq3A_686 = arith.constant 14 : i32
      %eq3A_687 = vector.broadcast %eq3A_686 : i32 to vector<16xi32>
      %eq3A_688 = arith.cmpi eq, %iota3A, %eq3A_687 : vector<16xi32>
      %jit3A_689 = arith.constant 0 : i32
      %broadcast_in_dim3A_690 = vector.broadcast %jit3A_689 : i32 to vector<16xi32>
      %select_n3A_691 = arith.select %eq3A_688, %get3A_377, %broadcast_in_dim3A_690 : vector<16xi1>, vector<16xi32>
      %reduce_sum3A_692 = arith.constant true
      %reduce_sum3A_693 = vector.broadcast %reduce_sum3A_692 : i1 to vector<16xi1>
      %reduce_sum3A_694 = tpu.scan <sum>, %select_n3A_691 masked %reduce_sum3A_693 : vector<16xi32>, vector<16xi1> -> vector<16xi32>
      %reduce_sum3A_695 = vector.extract %reduce_sum3A_694[15] : i32 from vector<16xi32>
      %mul3A_696 = arith.constant 16 : i32
      %mul3A_697 = arith.muli %add3A_373, %mul3A_696 : i32
      %add3A_698 = arith.constant 14 : i32
      %add3A_699 = arith.addi %mul3A_697, %add3A_698 : i32
      %dma_start3A_700 = arith.constant 0 : i32
      %dma_start3A_701 = tpu.memref_slice %arg6[%add3A_699, %dma_start3A_700] : memref<512x32xf32, #tpu.memory_space<vmem>> -> memref<1x32xf32, #tpu.memory_space<vmem>>
      %dma_start3A_702 = arith.constant 0 : i32
      %dma_start3A_703 = tpu.memref_slice %arg3[%reduce_sum3A_695, %dma_start3A_702] : memref<100000x32xf32, #tpu.memory_space<hbm>> -> memref<1x32xf32, #tpu.memory_space<hbm>>
      %dma_start3A_704 = arith.constant 0 : i32
      %dma_start3A_705 = tpu.memref_slice %arg6[%add3A_699, %dma_start3A_704] : memref<512x32xf32, #tpu.memory_space<vmem>> -> memref<1x32xf32, #tpu.memory_space<vmem>>
      %dma_start3A_706 = arith.constant 0 : i32
      %dma_start3A_707 = tpu.memref_slice %arg3[%reduce_sum3A_695, %dma_start3A_706] : memref<100000x32xf32, #tpu.memory_space<hbm>> -> memref<1x32xf32, #tpu.memory_space<hbm>>
      tpu.enqueue_dma source(%dma_start3A_707 : memref<1x32xf32, #tpu.memory_space<hbm>>) target(%dma_start3A_705 : memref<1x32xf32, #tpu.memory_space<vmem>>) target_semaphore(%arg7 : memref<!tpu.dma_semaphore, #tpu.memory_space<semaphore_mem>>)
      %eq3A_708 = arith.constant 15 : i32
      %eq3A_709 = vector.broadcast %eq3A_708 : i32 to vector<16xi32>
      %eq3A_710 = arith.cmpi eq, %iota3A, %eq3A_709 : vector<16xi32>
      %jit3A_711 = arith.constant 0 : i32
      %broadcast_in_dim3A_712 = vector.broadcast %jit3A_711 : i32 to vector<16xi32>
      %select_n3A_713 = arith.select %eq3A_710, %get3A_377, %broadcast_in_dim3A_712 : vector<16xi1>, vector<16xi32>
      %reduce_sum3A_714 = arith.constant true
      %reduce_sum3A_715 = vector.broadcast %reduce_sum3A_714 : i1 to vector<16xi1>
      %reduce_sum3A_716 = tpu.scan <sum>, %select_n3A_713 masked %reduce_sum3A_715 : vector<16xi32>, vector<16xi1> -> vector<16xi32>
      %reduce_sum3A_717 = vector.extract %reduce_sum3A_716[15] : i32 from vector<16xi32>
      %mul3A_718 = arith.constant 16 : i32
      %mul3A_719 = arith.muli %add3A_373, %mul3A_718 : i32
      %add3A_720 = arith.constant 15 : i32
      %add3A_721 = arith.addi %mul3A_719, %add3A_720 : i32
      %dma_start3A_722 = arith.constant 0 : i32
      %dma_start3A_723 = tpu.memref_slice %arg6[%add3A_721, %dma_start3A_722] : memref<512x32xf32, #tpu.memory_space<vmem>> -> memref<1x32xf32, #tpu.memory_space<vmem>>
      %dma_start3A_724 = arith.constant 0 : i32
      %dma_start3A_725 = tpu.memref_slice %arg3[%reduce_sum3A_717, %dma_start3A_724] : memref<100000x32xf32, #tpu.memory_space<hbm>> -> memref<1x32xf32, #tpu.memory_space<hbm>>
      %dma_start3A_726 = arith.constant 0 : i32
      %dma_start3A_727 = tpu.memref_slice %arg6[%add3A_721, %dma_start3A_726] : memref<512x32xf32, #tpu.memory_space<vmem>> -> memref<1x32xf32, #tpu.memory_space<vmem>>
      %dma_start3A_728 = arith.constant 0 : i32
      %dma_start3A_729 = tpu.memref_slice %arg3[%reduce_sum3A_717, %dma_start3A_728] : memref<100000x32xf32, #tpu.memory_space<hbm>> -> memref<1x32xf32, #tpu.memory_space<hbm>>
      tpu.enqueue_dma source(%dma_start3A_729 : memref<1x32xf32, #tpu.memory_space<hbm>>) target(%dma_start3A_727 : memref<1x32xf32, #tpu.memory_space<vmem>>) target_semaphore(%arg7 : memref<!tpu.dma_semaphore, #tpu.memory_space<semaphore_mem>>)
    }
    %scan3A_6 = arith.constant 32 : i32
    %dma_wait3A = arith.constant 0 : i32
    %dma_wait3A_7 = arith.constant 0 : i32
    %dma_wait3A_8 = tpu.memref_slice %arg3[%dma_wait3A, %dma_wait3A_7] : memref<100000x32xf32, #tpu.memory_space<hbm>> -> memref<512x32xf32, #tpu.memory_space<hbm>>
    %dma_wait3A_9 = arith.constant 0 : i32
    %dma_wait3A_10 = arith.constant 0 : i32
    %dma_wait3A_11 = tpu.memref_slice %arg3[%dma_wait3A_9, %dma_wait3A_10] : memref<100000x32xf32, #tpu.memory_space<hbm>> -> memref<512x32xf32, #tpu.memory_space<hbm>>
    tpu.wait_dma2 semaphore(%arg7 : memref<!tpu.dma_semaphore, #tpu.memory_space<semaphore_mem>>) src(%dma_wait3A_11 : memref<512x32xf32, #tpu.memory_space<hbm>>) dst(%arg6 : memref<512x32xf32, #tpu.memory_space<vmem>>)
    %mul3A_12 = arith.constant 512 : i32
    %mul3A_13 = arith.muli %add3A, %mul3A_12 : i32
    "tpu.region"() ({
      %run_scoped3A = tpu.sem_alloc : memref<!tpu.dma_semaphore, #tpu.memory_space<semaphore_mem>>
      %dma_start3A = arith.constant 0 : i32
      %dma_start3A_14 = tpu.memref_slice %arg4[%mul3A_13, %dma_start3A] : memref<16384x32xf32, #tpu.memory_space<hbm>> -> memref<512x32xf32, #tpu.memory_space<hbm>>
      %dma_start3A_15 = arith.constant 0 : i32
      %dma_start3A_16 = tpu.memref_slice %arg4[%mul3A_13, %dma_start3A_15] : memref<16384x32xf32, #tpu.memory_space<hbm>> -> memref<512x32xf32, #tpu.memory_space<hbm>>
      tpu.enqueue_dma source(%arg6 : memref<512x32xf32, #tpu.memory_space<vmem>>) target(%dma_start3A_16 : memref<512x32xf32, #tpu.memory_space<hbm>>) target_semaphore(%run_scoped3A : memref<!tpu.dma_semaphore, #tpu.memory_space<semaphore_mem>>)
      %dma_wait3A_17 = arith.constant 0 : i32
      %dma_wait3A_18 = tpu.memref_slice %arg4[%mul3A_13, %dma_wait3A_17] : memref<16384x32xf32, #tpu.memory_space<hbm>> -> memref<512x32xf32, #tpu.memory_space<hbm>>
      %dma_wait3A_19 = arith.constant 0 : i32
      %dma_wait3A_20 = tpu.memref_slice %arg4[%mul3A_13, %dma_wait3A_19] : memref<16384x32xf32, #tpu.memory_space<hbm>> -> memref<512x32xf32, #tpu.memory_space<hbm>>
      tpu.wait_dma2 semaphore(%run_scoped3A : memref<!tpu.dma_semaphore, #tpu.memory_space<semaphore_mem>>) src(%arg6 : memref<512x32xf32, #tpu.memory_space<vmem>>) dst(%dma_wait3A_20 : memref<512x32xf32, #tpu.memory_space<hbm>>)
      tpu.yield
    }) : () -> ()
    return
  }
}

</mosaic_0001>

<sc_bundles>
// kernel: kernel.3.cloned.1.call-start
scs
__scs_entry_jumppad:
0x0: {  	(pc) =	sbr.rel $0x88, $3  }
0x1: {  	(tag) =	ssettag $0x0;
	lr =	simm.s32 $0x1  }
0x2: {  	[smem:$0x3F9F] =	sst lr;
	_ =	strace $0xD0000000  }
0x3: {  	_ = 	snop  }
0x4: {  	_ = 	snop  }
0x5: {  	_ = 	snop  }
0x6: {  	_ = 	snop  }
0x7: {  	_ = 	snop  }
__scs_overlays_trampoline_lowered:
0x8: {  	[smem:$0x3FAE] =	sst s0  }
0x9: {  	[smem:$0x3FAF] =	sst s1  }
0xa: {  	[smem:$0x3FB0] =	sst s2  }
0xb: {  	[smem:$0x3FB1] =	sst s3  }
0xc: {  	[smem:$0x3FB2] =	sst s4  }
0xd: {  	[smem:$0x3FB3] =	sst s5  }
0xe: {  	[smem:$0x3FB4] =	sst s6  }
0xf: {  	[smem:$0x3FB5] =	sst s7  }
0x10: {  	[smem:$0x3FB6] =	sst s8  }
0x11: {  	[smem:$0x3FB7] =	sst s9;
	s0 =	simm.s32 @!p0 $0x0  }
0x12: {  	s1 =	sld [smem:$0x3F9D];
	s0 =	simm.s32 @p0 $0x1  }
0x13: {  	[smem:$0x3FB8] =	sst s0;
	s0 =	simm.s32 @!p1 $0x0  }
0x14: {  	s2 =	sld [smem:$0x3F9C];
	s0 =	simm.s32 @p1 $0x1  }
0x15: {  	[smem:$0x3FB9] =	sst s0;
	s0 =	simm.s32 @!p2 $0x0  }
0x16: {  	s3 =	sld [smem:$0x3FDB];
	s0 =	simm.s32 @p2 $0x1  }
0x17: {  	s4 =	simm.s32 $0x1BF5;
	[smem:$0x3FBB] =	sst s0  }
0x18: {  	s0 =	sld [smem:$0x3F9E];
	_ =	swait.ge [sflag:s4], $0x0  }
0x19: {  	s7 =	sld [smem:$0x3F9F]  }
0x1a: {  	s8 =	sadd.s32 $0xFFFFE003, lr  }
0x1b: {  	s9 =	sadd.s32 $0xFFFFFEF7, lr;
	s5 =	simm.s32 $0xFFFFFFFF;
	p2 =	slt.u32 s8, $0xFFFFF086  }
0x1c: {  	p1 =	slt.u32 s9, $0xF7A;
	s5 =	simm.s32 @!p2 $0x0  }
0x1d: {  	s5 =	simm.s32 @p1 $0x1;
	p0 =	seq.s32 s7, s2  }
0x1e: {  	s7 =	smul.u32 @!p0 $0xF7A, s2;
	p2 =	seq.s32 @!p0 s5, $0x0  }
0x1f: {  	s9 =	smul.u32 $0xF7A, s1;
	s8 =	simm.s32 @!p0 $0x1BF5;
	p2 =	por !p2, p0  }
0x20: {  	[sflag:s8] =	ssyncset.s32 @!p0 $0xFFFFF086;
	s6 =	sadd.s32 @!p0 s3, s7;
	s7 =	simm.s32 @!p0 $0x108  }
0x21: {  	s3 =	sadd.s32 s3, s9;
	s6 =	sadd.s32 @!p0 $0x88, s6;
	s7 =	simm.s32 @p2 $0x1082  }
0x22: {  	[simem:s7], [sflag:s8] =	dma.local @!p0 [hbm:s6], $0xF7A  }
0x23: {  	s9 =	sor.u32 $0xD0000000, s2;
	s6 =	simm.s32 $0x108;
	_ =	swait.ge @!p0 [sflag:s8], $0x0  }
0x24: {  	s3 =	sadd.s32 $0x88, s3;
	s6 =	simm.s32 @!p1 $0x1082;
	[sflag:s4] =	ssyncset.s32 $0xFFFFF086  }
0x25: {  	[simem:s6], [sflag:s4] =	dma.local [hbm:s3], $0xF7A  }
0x26: {  	[smem:$0x3F9F] =	sst s1;
	(tag) =	ssettag s2;
	_ =	strace s9  }
0x27: {  	s1 =	sld [smem:$0x3FAF]  }
0x28: {  	s2 =	sld [smem:$0x3FB0]  }
0x29: {  	s4 =	sld [smem:$0x3FB2]  }
0x2a: {  	p0 =	seq.s32 s5, $0x0;
	s5 =	sld [smem:$0x3FB3]  }
0x2b: {  	s6 =	sld [smem:$0x3FB4]  }
0x2c: {  	s7 =	sld [smem:$0x3FB5]  }
0x2d: {  	s3 =	simm.s32 $0x108;
	s8 =	sld [smem:$0x3FB6]  }
0x2e: {  	s3 =	simm.s32 @!p0 $0x1082;
	s9 =	sld [smem:$0x3FB7]  }
0x2f: {  	lr =	sadd.s32 s0, s3;
	s0 =	sld [smem:$0x3FAE]  }
0x30: {  	s3 =	sld [smem:$0x3FB1]  }
0x31: {  	[smem:$0x3FBA] =	sst s10  }
0x32: {  	s10 =	sld [smem:$0x3FB8];
	_ =	sdelay $0x3  }
0x33: {  	p0 =	seq.s32 s10, $0x1;
	s10 =	sld [smem:$0x3FBA];
	_ =	sdelay $0x3  }
0x34: {  	[smem:$0x3FBA] =	sst s10  }
0x35: {  	s10 =	sld [smem:$0x3FB9];
	_ =	sdelay $0x3  }
0x36: {  	p1 =	seq.s32 s10, $0x1;
	s10 =	sld [smem:$0x3FBA];
	_ =	sdelay $0x3  }
0x37: {  	[smem:$0x3FBA] =	sst s10  }
0x38: {  	s10 =	sld [smem:$0x3FBB]  }
0x39: {  	_ = 	snop;
	(pc) =	sbr.ind lr, $3  }
0x3a: {  	_ = 	snop  }
0x3b: {  	_ = 	snop  }
0x3c: {  	p2 =	seq.s32 s10, $0x1;
	s10 =	sld [smem:$0x3FBA]  }
0x3d: {  	_ =	shalt  }
0x3e: {  	_ =	shalt  }
0x3f: {  	_ =	shalt  }
0x40: {  	_ =	shalt  }
0x41: {  	_ =	shalt  }
0x42: {  	_ =	shalt  }
0x43: {  	_ =	shalt  }
0x44: {  	_ =	shalt  }
0x45: {  	_ =	shalt  }
0x46: {  	_ =	shalt  }
0x47: {  	_ =	shalt  }
0x48: {  	_ =	shalt  }
0x49: {  	_ =	shalt  }
0x4a: {  	_ =	shalt  }
0x4b: {  	_ =	shalt  }
0x4c: {  	_ =	shalt  }
0x4d: {  	_ =	shalt  }
0x4e: {  	_ =	shalt  }
0x4f: {  	_ =	shalt  }
0x50: {  	_ =	shalt  }
0x51: {  	_ =	shalt  }
0x52: {  	_ =	shalt  }
0x53: {  	_ =	shalt  }
0x54: {  	_ =	shalt  }
0x55: {  	_ =	shalt  }
0x56: {  	_ =	shalt  }
0x57: {  	_ =	shalt  }
0x58: {  	_ =	shalt  }
0x59: {  	_ =	shalt  }
0x5a: {  	_ =	shalt  }
0x5b: {  	_ =	shalt  }
0x5c: {  	_ =	shalt  }
0x5d: {  	_ =	shalt  }
0x5e: {  	_ =	shalt  }
0x5f: {  	_ =	shalt  }
0x60: {  	_ =	shalt  }
0x61: {  	_ =	shalt  }
0x62: {  	_ =	shalt  }
0x63: {  	_ =	shalt  }
0x64: {  	_ =	shalt  }
0x65: {  	_ =	shalt  }
0x66: {  	_ =	shalt  }
0x67: {  	_ =	shalt  }
0x68: {  	_ =	shalt  }
0x69: {  	_ =	shalt  }
0x6a: {  	_ =	shalt  }
0x6b: {  	_ =	shalt  }
0x6c: {  	_ =	shalt  }
0x6d: {  	_ =	shalt  }
0x6e: {  	_ =	shalt  }
0x6f: {  	_ =	shalt  }
0x70: {  	_ =	shalt  }
0x71: {  	_ =	shalt  }
0x72: {  	_ =	shalt  }
0x73: {  	_ =	shalt  }
0x74: {  	_ =	shalt  }
0x75: {  	_ =	shalt  }
0x76: {  	_ =	shalt  }
0x77: {  	_ =	shalt  }
0x78: {  	_ =	shalt  }
0x79: {  	_ =	shalt  }
0x7a: {  	_ =	shalt  }
0x7b: {  	_ =	shalt  }
0x7c: {  	_ =	shalt  }
0x7d: {  	_ =	shalt  }
0x7e: {  	_ =	shalt  }
0x7f: {  	_ =	shalt  }
0x80: {  	_ =	shalt  }
0x81: {  	_ =	shalt  }
0x82: {  	_ =	shalt  }
0x83: {  	_ =	shalt  }
0x84: {  	_ =	shalt  }
0x85: {  	_ =	shalt  }
0x86: {  	_ =	shalt  }
0x87: {  	_ =	shalt  }
.Lfunc_end0:
.L_simem_size_0:
called_computation_lowered:
.L_overlay_start_0:
0x88: {  	s2 =	sld [smem:$0x3FD9]  }
0x89: {  	s3 =	sld [smem:$0x3FFE];
	_ =	sdelay $0x1  }
0x8a: {  	s1 =	srdreg.scid  }
0x8b: {  	s0 =	sand.u32 $0x1, s1  }
0x8c: {  	s17 =	sshll.u32 s0, $0xA;
	s2 =	sadd.s32 s3, s2  }
0x8d: {  	s2 =	sadd.s32 s2, s17  }
0x8e: {  	[smem:$0x3FC6] =	sst s2  }
0x8f: {  	_ = 	snop  }
0x90: {  	s2 =	sld [smem:$0x3FC9];
	(tm) =	ssettm $0x1  }
0x91: {  	s18 =	sld [smem:$0x3FFB];
	_ =	sdelay $0x3  }
0x92: {  	_ =	strace s18  }
0x93: {  	s3 =	sld [smem:$0x3FFC];
	_ =	sdelay $0x3  }
0x94: {  	_ =	strace s3  }
0x95: {  	s3 =	sld [smem:$0x3FFD];
	_ =	sdelay $0x3  }
0x96: {  	_ =	strace s3  }
0x97: {  	_ =	strace $0x8FFFFFFF  }
0x98: {  	s19 =	sld [smem:$0x3FDB];
	_ =	sdelay $0x1  }
0x99: {  	s4 =	simm.s32 $_scs_section_size  }
0x9a: {  	s5 =	simm.s32 $_size__tile_overlayer_lowered;
	s6 =	simm.s32 $_tile_overlayer_lowered  }
0x9b: {  	s22 =	simm.s32 $0x1BFF;
	s21 =	sshll.u32 s6, $0x1;
	s3 =	sadd.s32 s4, s19  }
0x9c: {  	s7 =	simm.s32 $0x0;
	s20 =	sshll.u32 s5, $0x1;
	s5 =	sadd.s32 s21, s3  }
0x9d: {  	[timem:s7], [sflag:s22] =	dma.local [hbm:s5], s20  }
0x9e: {  	_ =	swait.ge [sflag:s22], s20  }
0x9f: {  	s4 =	ssub.s32 $0x0, s20;
	[sflag:s22] =	ssyncset.done $0x0  }
0xa0: {  	[sflag:s22] =	ssyncadd.s32 s4;
	_ =	sdelay $0x1  }
0xa1: {  	s23 =	simm.s32 $0x1B8B  }
0xa2: {  	_ =	swait.ge [sflag:s23], $0x1  }
0xa3: {  	[sflag:s23] =	ssyncset.done $0x0  }
0xa4: {  	s25 =	simm.s32 $0x1B8E;
	s24 =	sld [smem:$0x3FFE];
	[sflag:s23] =	ssyncadd.s32 $0xFFFFFFFF  }
0xa5: {  	s26 =	simm.s32 $execute0_lowered;
	[smem:$0x3FD2] =	sst s25  }
0xa6: {  	s5 =	sshll.u32 s26, $0x1;
	_ =	strace $0x80000046;
	[dreg:$0x1] =	wrdreg $0xFFFFFFFF  }
0xa7: {  	s28 =	simm.s32 $_size_execute0_lowered;
	s3 =	sadd.s32 s3, s5;
	[dreg:$0x0] =	wrdreg $0x0  }
0xa8: {  	s5 =	sshll.u32 s28, $0x1;
	[dreg:$0x2] =	wrdreg s3  }
0xa9: {  	[dreg:$0x3] =	wrdreg s5  }
0xaa: {  	[dreg:$0x4] =	wrdreg $0xC0  }
0xab: {  	_ =	task [dreg:s7], $0x5FFFF  }
0xac: {  	[dreg:$0x1] =	wrdreg $0xFFFFFFFF  }
0xad: {  	[dreg:$0x0] =	wrdreg $0x60  }
0xae: {  	[dreg:$0x2] =	wrdreg s2  }
0xaf: {  	[dreg:$0x3] =	wrdreg s24  }
0xb0: {  	[dreg:$0x4] =	wrdreg $0x9  }
0xb1: {  	_ =	task.clear_ibuf [dreg:s7], $0x5FFFF;
	_ =	strace $0x90000046  }
0xb2: {  	s29 =	simm.s32 $0x9;
	_ =	strace $0x80000048  }
0xb3: {  	_ =	swait.ge [sflag:s29], $0x1  }
0xb4: {  	[sflag:s29] =	ssyncadd.s32 $0xFFFFFFFF  }
0xb5: {  	_ =	strace $0x90000048  }
0xb6: {  	_ =	sfence  }
0xb7: {  	s30 =	sld [smem:$0x0];
	_ =	sdelay $0x2  }
0xb8: {  	s31 =	sshll.u32 s1, $0xD;
	s1 =	sshrl.u32 s1, $0x2  }
0xb9: {  	s3 =	sand.u32 $0x4000, s31;
	s1 =	sadd.s32 s1, s30  }
0xba: {  	s0 =	sor.u32 s3, s0;
	s1 =	sshll.u32 s1, $0x11  }
0xbb: {  	s0 =	sor.u32 s1, s0  }
0xbc: {  	s0 =	sadd.s32 $0x8F2B, s0  }
0xbd: {  	[sflag:s0] =	ssyncadd.remote.s32 $0x1  }
0xbe: {  	_ =	sfence.sel $0xFFFF  }
0xbf: {  	[dreg:$0x0] =	wrdreg $0xFFFFFFFF;
	(pc) =	sbr.abs _section_cstart, $3  }
0xc0: {  	[dreg:$0x1] =	wrdreg $0xFFFFFFFF  }
0xc1: {  	_ =	task.clear_ibuf [dreg:s7], $0x2FFFF;
	_ =	strace $0x9FFFFFFF  }
0xc2: {  	(tm) =	ssettm $0x7FFFFFFF  }
0xc3: {  	_ =	shalt  }
tec
execute0_lowered:
.L_overlay_start_1:
0x0: {  	(tag) =	ssettag $0x1  }
0x1: {  	s4 =	rddreg [dreg:$0x0]  }
0x2: {  	s5 =	rddreg [dreg:$0x1];
	s2 =	simm.s32 $0x0;
	s3 =	srdreg.scid  }
0x3: {  	s0 =	stileid.u32;
	s10 =	simm.s32 $0x0;
	s6 =	sand.u32 $0x1, s3  }
0x4: {  	vm0 =	vmmov $0x1;
	[smem:$0x7FF] =	sst s2;
	s7 =	sshll.u32 s0, $0xA;
	s8 =	sshll.u32 s6, $0x9  }
0x5: {  	vm1 =	vcmask $0x308;
	vm2 =	vcmask $0x70C;
	vm3 =	vcmask $0xB10;
	s3 =	sadd.s32 $0x400, s5;
	s6 =	ssub.s32 $0x2, s6;
	s7 =	sor.u32 s8, s7  }
0x6: {  	vm4 =	vcmask $0xF14;
	vm5 =	vcmask $0x1318;
	vm6 =	vcmask $0x171C;
	_ =	strace $0x80000047;
	s9 =	sshrl.u32 s6, $0x1;
	s8 =	sshll.u32 s7, $0x4  }
0x7: {  	vm7 =	vcmask $0x1B20;
	vm8 =	vcmask $0x1F24;
	vm9 =	vcmask $0x2328;
	s7 =	sshrl.u32 s7, $0x3;
	s6 =	ssub.s32 s6, s9;
	s9 =	simm.s32 $0x200  }
0x8: {  	vm10 =	vcmask $0x272C;
	vm11 =	vcmask $0x2B30;
	vm12 =	vcmask $0x2F34;
	s5 =	sadd.s32 s8, s5;
	s4 =	sadd.s32 s4, s7;
	s6 =	smax.u32 s6, $0x1  }
0x9: {  	vm13 =	vcmask $0x3338;
	vm14 =	vcmask $0x373C;
	vm15 =	vmmov $0x7fff;
	s7 =	simm.s32 $0x2;
	s8 =	simm.s32 $0x1;
	s5 =	sadd.s32 $0x186E00, s5  }
.LBB2_1:
0xa: {  	[tilespmem:s2], [sflag:$0x2] =	stream.linear.gather [hbm4b:s4+s2], $0x200, $0x38;
	[tilespmem:$0x10200] =	vst v63  }
0xb: {  	_ =	swait.ge [sflag:s7], $0x200  }
0xc: {  	[sflag:s7] =	ssyncset.done $0x0  }
0xd: {  	s11 =	simm.s32 $0x10;
	[sflag:s7] =	ssyncadd.s32 $0xFFFFFE00  }
0xe: {  	v0 =	vld [tilespmem:s11+$0xFFFFFFF0];
	_ =	sdelay $0x4  }
0xf: {  	v1 =	vnsel vm0, $0x0, v0  }
0x10: {  	v2 =	vsel vm1, $0x0, v0;
	(xrf0) =	vadd.scan.msk.s32 $0xffff, v1  }
0x11: {  	(xrf0) =	vadd.scan.msk.s32 $0xffff, v2  }
0x12: {  	v5 =	vsel vm2, $0x0, v0  }
0x13: {  	(xrf0) =	vadd.scan.msk.s32 $0xffff, v5  }
0x14: {  	v6 =	vsel vm3, $0x0, v0  }
0x15: {  	(xrf0) =	vadd.scan.msk.s32 $0xffff, v6  }
0x16: {  	v7 =	vsel vm4, $0x0, v0;
	v8, _, _ =	vpop (xrf0)  }
0x17: {  	v10 =	vsel vm5, $0x0, v0;
	(xrf0) =	vadd.scan.msk.s32 $0xffff, v7;
	(v2sf) =	vpush v8, $0xF;
	v9, _, _ =	vpop (xrf0)  }
0x18: {  	(xrf0) =	vadd.scan.msk.s32 $0xffff, v10;
	(v2sf) =	vpush v9, $0xF  }
0x19: {  	v11, _, _ =	vpop (xrf0)  }
0x1a: {  	v12 =	vsel vm6, $0x0, v0;
	(v2sf) =	vpush v11, $0xF  }
0x1b: {  	(xrf0) =	vadd.scan.msk.s32 $0xffff, v12;
	v13, _, _ =	vpop (xrf0)  }
0x1c: {  	(v2sf) =	vpush v13, $0xF  }
0x1d: {  	v14, _, _ =	vpop (xrf0)  }
0x1e: {  	v3 =	vsel vm7, $0x0, v0;
	(v2sf) =	vpush v14, $0xF;
	v15, _, _ =	vpop (xrf0)  }
0x1f: {  	(xrf0) =	vadd.scan.msk.s32 $0xffff, v3;
	(v2sf) =	vpush v15, $0xF  }
0x20: {  	v16 =	vsel vm8, $0x0, v0  }
0x21: {  	(xrf0) =	vadd.scan.msk.s32 $0xffff, v16;
	v18, _, _ =	vpop (xrf0)  }
0x22: {  	v17 =	vsel vm9, $0x0, v0;
	(v2sf) =	vpush v18, $0xF  }
0x23: {  	s12 =	simm.s32 $0x880;
	s15 =	simm.s32 $0x700;
	s14 =	simm.s32 $0x780;
	(xrf0) =	vadd.scan.msk.s32 $0xffff, v17  }
0x24: {  	s13 =	simm.s32 $0x800;
	s18 =	simm.s32 $0x580;
	s17 =	simm.s32 $0x600  }
0x25: {  	s16 =	simm.s32 $0x680;
	s21 =	simm.s32 $0x380;
	s20 =	simm.s32 $0x480;
	v20 =	vsel vm10, $0x0, v0;
	v19, _, _ =	vpop (xrf0)  }
0x26: {  	s19 =	simm.s32 $0x500;
	s22 =	simm.s32 $0x280;
	v21 =	vsel vm11, $0x0, v0;
	(xrf0) =	vadd.scan.msk.s32 $0xffff, v20;
	(v2sf) =	vpush v19, $0xF;
	s24 =	spop (v2sf)  }
0x27: {  	s23 =	simm.s32 $0x300;
	v22, _, _ =	vpop (xrf0);
	(xrf0) =	vadd.scan.msk.s32 $0xffff, v21;
	s24 =	sshll.u32 s24, $0x4;
	s26 =	spop (v2sf)  }
0x28: {  	s25 =	simm.s32 $0x200;
	v23 =	vsel vm12, $0x0, v0;
	(v2sf) =	vpush v22, $0xF;
	s24 =	sand.u32 $0x1FFFFFF0, s24;
	s26 =	sshll.u32 s26, $0x4  }
0x29: {  	(xrf0) =	vadd.scan.msk.s32 $0xffff, v23;
	v24, _, _ =	vpop (xrf0);
	s28 =	spop (v2sf);
	s24 =	sadd.s32 s3, s24;
	s26 =	sand.u32 $0x1FFFFFF0, s26  }
0x2a: {  	v25 =	vsel vm13, $0x0, v0;
	(v2sf) =	vpush v24, $0xF;
	[tilespmem:s25], [sflag:$0x1] =	stream.linear.gather [hbm4b:s24+s2], $0x80, $0x38;
	[tilespmem:$0x10200] =	vst v63  }
0x2b: {  	(xrf0) =	vadd.scan.msk.s32 $0xffff, v25;
	s28 =	sshll.u32 s28, $0x4;
	s1 =	spop (v2sf);
	s31 =	sadd.s32 s3, s26  }
0x2c: {  	v26, _, _ =	vpop (xrf0);
	[tilespmem:s22], [sflag:$0x1] =	stream.linear.gather [hbm4b:s31+s2], $0x80, $0x38;
	[tilespmem:$0x10200] =	vst v63  }
0x2d: {  	v27 =	vsel vm14, $0x0, v0;
	(v2sf) =	vpush v26, $0xF;
	v28, _, _ =	vpop (xrf0);
	s0 =	sand.u32 $0x1FFFFFF0, s28;
	s26 =	sshll.u32 s1, $0x4;
	s28 =	spop (v2sf)  }
0x2e: {  	(xrf0) =	vadd.scan.msk.s32 $0xffff, v27;
	(v2sf) =	vpush v28, $0xF;
	s25 =	sadd.s32 s3, s0;
	s29 =	sand.u32 $0x1FFFFFF0, s26;
	s31 =	spop (v2sf)  }
0x2f: {  	v0 =	vsel vm15, $0x0, v0;
	v29, _, _ =	vpop (xrf0);
	[tilespmem:s23], [sflag:$0x1] =	stream.linear.gather [hbm4b:s25+s2], $0x80, $0x38;
	[tilespmem:$0x10200] =	vst v63  }
0x30: {  	(xrf0) =	vadd.scan.msk.s32 $0xffff, v0;
	s22 =	sadd.s32 s3, s29;
	(v2sf) =	vpush v29, $0xF;
	s30 =	sshll.u32 s28, $0x4;
	s24 =	sshll.u32 s31, $0x4  }
0x31: {  	v30, _, _ =	vpop (xrf0);
	s23 =	sand.u32 $0x1FFFFFF0, s30;
	s1 =	sand.u32 $0x1FFFFFF0, s24;
	s24 =	spop (v2sf)  }
0x32: {  	(v2sf) =	vpush v30, $0xF;
	[tilespmem:s21], [sflag:$0x1] =	stream.linear.gather [hbm4b:s22+s2], $0x80, $0x38;
	[tilespmem:$0x10200] =	vst v63  }
0x33: {  	s25 =	simm.s32 $0x400;
	s0 =	sadd.s32 s3, s23;
	s23 =	sshll.u32 s24, $0x4  }
0x34: {  	v31, _, _ =	vpop (xrf0);
	[tilespmem:s25], [sflag:$0x1] =	stream.linear.gather [hbm4b:s0+s2], $0x80, $0x38;
	[tilespmem:$0x10200] =	vst v63  }
0x35: {  	(v2sf) =	vpush v31, $0xF;
	s26 =	spop (v2sf);
	s28 =	sadd.s32 s3, s1;
	s29 =	sand.u32 $0x1FFFFFF0, s23  }
0x36: {  	v32, _, _ =	vpop (xrf0);
	[tilespmem:s20], [sflag:$0x1] =	stream.linear.gather [hbm4b:s28+s2], $0x80, $0x38;
	[tilespmem:$0x10200] =	vst v63  }
0x37: {  	(v2sf) =	vpush v32, $0xF;
	s30 =	sshll.u32 s26, $0x4;
	s31 =	sadd.s32 s3, s29;
	s1 =	spop (v2sf)  }
0x38: {  	[tilespmem:s19], [sflag:$0x1] =	stream.linear.gather [hbm4b:s31+s2], $0x80, $0x38;
	[tilespmem:$0x10200] =	vst v63  }
0x39: {  	s0 =	sand.u32 $0x1FFFFFF0, s30;
	s22 =	sshll.u32 s1, $0x4;
	s23 =	spop (v2sf)  }
0x3a: {  	s21 =	sadd.s32 s3, s0;
	s24 =	sand.u32 $0x1FFFFFF0, s22;
	s25 =	sshll.u32 s23, $0x4  }
0x3b: {  	[tilespmem:s18], [sflag:$0x1] =	stream.linear.gather [hbm4b:s21+s2], $0x80, $0x38;
	[tilespmem:$0x10200] =	vst v63  }
0x3c: {  	s26 =	spop (v2sf);
	s18 =	sadd.s32 s3, s24;
	s19 =	sand.u32 $0x1FFFFFF0, s25  }
0x3d: {  	s20 =	sshll.u32 s26, $0x4;
	s30 =	spop (v2sf);
	s28 =	sadd.s32 s3, s19  }
0x3e: {  	[tilespmem:s17], [sflag:$0x1] =	stream.linear.gather [hbm4b:s18+s2], $0x80, $0x38;
	[tilespmem:$0x10200] =	vst v63  }
0x3f: {  	s29 =	sand.u32 $0x1FFFFFF0, s20;
	s0 =	sshll.u32 s30, $0x4;
	s1 =	spop (v2sf)  }
0x40: {  	[tilespmem:s16], [sflag:$0x1] =	stream.linear.gather [hbm4b:s28+s2], $0x80, $0x38;
	[tilespmem:$0x10200] =	vst v63  }
0x41: {  	s31 =	sadd.s32 s3, s29;
	s20 =	sshll.u32 s1, $0x4;
	s21 =	spop (v2sf)  }
0x42: {  	s19 =	sand.u32 $0x1FFFFFF0, s0;
	s16 =	sand.u32 $0x1FFFFFF0, s20;
	s17 =	sshll.u32 s21, $0x4  }
0x43: {  	[tilespmem:s15], [sflag:$0x1] =	stream.linear.gather [hbm4b:s31+s2], $0x80, $0x38;
	[tilespmem:$0x10200] =	vst v63  }
0x44: {  	s15 =	sadd.s32 s3, s19;
	s22 =	sadd.s32 s3, s16;
	s24 =	spop (v2sf)  }
0x45: {  	[tilespmem:s14], [sflag:$0x1] =	stream.linear.gather [hbm4b:s15+s2], $0x80, $0x38;
	[tilespmem:$0x10200] =	vst v63  }
0x46: {  	s23 =	sand.u32 $0x1FFFFFF0, s17;
	s26 =	sshll.u32 s24, $0x4;
	s28 =	spop (v2sf)  }
0x47: {  	[tilespmem:s13], [sflag:$0x1] =	stream.linear.gather [hbm4b:s22+s2], $0x80, $0x38;
	[tilespmem:$0x10200] =	vst v63  }
0x48: {  	s25 =	sadd.s32 s3, s23;
	s29 =	sand.u32 $0x1FFFFFF0, s26;
	s30 =	sshll.u32 s28, $0x4  }
0x49: {  	[tilespmem:s12], [sflag:$0x1] =	stream.linear.gather [hbm4b:s25+s2], $0x80, $0x38;
	[tilespmem:$0x10200] =	vst v63  }
0x4a: {  	s31 =	simm.s32 $0x900;
	s13 =	sand.u32 $0x1FFFFFF0, s30;
	s12 =	sadd.s32 s3, s29  }
0x4b: {  	[tilespmem:s31], [sflag:$0x1] =	stream.linear.gather [hbm4b:s12+s2], $0x80, $0x38;
	[tilespmem:$0x10200] =	vst v63  }
0x4c: {  	s0 =	simm.s32 $0x980;
	s13 =	sadd.s32 s3, s13  }
0x4d: {  	[tilespmem:s0], [sflag:$0x1] =	stream.linear.gather [hbm4b:s13+s2], $0x80, $0x38;
	[tilespmem:$0x10200] =	vst v63  }
0x4e: {  	v33 =	vld [tilespmem:s11+$0x0];
	_ =	sdelay $0x4  }
0x4f: {  	v34 =	vnsel vm0, $0x0, v33  }
0x50: {  	v35 =	vsel vm1, $0x0, v33;
	(xrf0) =	vadd.scan.msk.s32 $0xffff, v34  }
0x51: {  	(xrf0) =	vadd.scan.msk.s32 $0xffff, v35  }
0x52: {  	v36 =	vsel vm2, $0x0, v33  }
0x53: {  	(xrf0) =	vadd.scan.msk.s32 $0xffff, v36  }
0x54: {  	v37 =	vsel vm3, $0x0, v33  }
0x55: {  	(xrf0) =	vadd.scan.msk.s32 $0xffff, v37  }
0x56: {  	v39, _, _ =	vpop (xrf0)  }
0x57: {  	v38 =	vsel vm4, $0x0, v33;
	(v2sf) =	vpush v39, $0xF;
	v41, _, _ =	vpop (xrf0)  }
0x58: {  	v40 =	vsel vm5, $0x0, v33;
	(xrf0) =	vadd.scan.msk.s32 $0xffff, v38;
	(v2sf) =	vpush v41, $0xF  }
0x59: {  	(xrf0) =	vadd.scan.msk.s32 $0xffff, v40;
	v42, _, _ =	vpop (xrf0)  }
0x5a: {  	v43 =	vsel vm6, $0x0, v33;
	(v2sf) =	vpush v42, $0xF  }
0x5b: {  	(xrf0) =	vadd.scan.msk.s32 $0xffff, v43;
	v44, _, _ =	vpop (xrf0)  }
0x5c: {  	v45 =	vsel vm7, $0x0, v33;
	(v2sf) =	vpush v44, $0xF  }
0x5d: {  	(xrf0) =	vadd.scan.msk.s32 $0xffff, v45  }
0x5e: {  	v48 =	vsel vm8, $0x0, v33;
	v46, _, _ =	vpop (xrf0)  }
0x5f: {  	v50 =	vsel vm9, $0x0, v33;
	(xrf0) =	vadd.scan.msk.s32 $0xffff, v48;
	v47, _, _ =	vpop (xrf0);
	(v2sf) =	vpush v46, $0xF  }
0x60: {  	(xrf0) =	vadd.scan.msk.s32 $0xffff, v50;
	(v2sf) =	vpush v47, $0xF  }
0x61: {  	v49, _, _ =	vpop (xrf0)  }
0x62: {  	s18 =	simm.s32 $0x1080;
	(v2sf) =	vpush v49, $0xF  }
0x63: {  	s1 =	simm.s32 $0xA00;
	s20 =	simm.s32 $0xD80;
	s21 =	simm.s32 $0xB80;
	v51, _, _ =	vpop (xrf0)  }
0x64: {  	s16 =	simm.s32 $0x1180;
	s19 =	simm.s32 $0x1000;
	s17 =	simm.s32 $0x1100;
	v52 =	vsel vm10, $0x0, v33;
	(v2sf) =	vpush v51, $0xF  }
0x65: {  	s23 =	simm.s32 $0xC80;
	s24 =	simm.s32 $0xD00;
	s14 =	simm.s32 $0xF00;
	(xrf0) =	vadd.scan.msk.s32 $0xffff, v52;
	v54, _, _ =	vpop (xrf0)  }
0x66: {  	s15 =	simm.s32 $0xE00;
	s28 =	simm.s32 $0xA80;
	v53 =	vsel vm11, $0x0, v33;
	v55, _, _ =	vpop (xrf0);
	s30 =	spop (v2sf);
	(v2sf) =	vpush v54, $0xF  }
0x67: {  	s22 =	simm.s32 $0xC00;
	(xrf0) =	vadd.scan.msk.s32 $0xffff, v53;
	s26 =	sshll.u32 s30, $0x4;
	s29 =	spop (v2sf);
	(v2sf) =	vpush v55, $0xF  }
0x68: {  	s25 =	simm.s32 $0xB00;
	s12 =	simm.s32 $0xF80;
	s26 =	sand.u32 $0x1FFFFFF0, s26  }
0x69: {  	s29 =	sshll.u32 s29, $0x4;
	s30 =	spop (v2sf);
	s26 =	sadd.s32 s3, s26  }
0x6a: {  	[tilespmem:s1], [sflag:$0x1] =	stream.linear.gather [hbm4b:s26+s2], $0x80, $0x38;
	[tilespmem:$0x10200] =	vst v63  }
0x6b: {  	v56 =	vsel vm12, $0x0, v33;
	v57, _, _ =	vpop (xrf0);
	s29 =	sand.u32 $0x1FFFFFF0, s29;
	s30 =	sshll.u32 s30, $0x4;
	s1 =	spop (v2sf)  }
0x6c: {  	(xrf0) =	vadd.scan.msk.s32 $0xffff, v56;
	(v2sf) =	vpush v57, $0xF;
	s31 =	sadd.s32 s3, s29;
	s0 =	sand.u32 $0x1FFFFFF0, s30;
	s29 =	sshll.u32 s1, $0x4  }
0x6d: {  	v58 =	vsel vm13, $0x0, v33;
	v59, _, _ =	vpop (xrf0);
	[tilespmem:s28], [sflag:$0x1] =	stream.linear.gather [hbm4b:s31+s2], $0x80, $0x38;
	[tilespmem:$0x10200] =	vst v63  }
0x6e: {  	v61 =	vsel vm14, $0x0, v33;
	(xrf0) =	vadd.scan.msk.s32 $0xffff, v58;
	(v2sf) =	vpush v59, $0xF;
	s26 =	sadd.s32 s3, s0;
	s30 =	spop (v2sf);
	s29 =	sand.u32 $0x1FFFFFF0, s29  }
0x6f: {  	(xrf0) =	vadd.scan.msk.s32 $0xffff, v61;
	s28 =	sshll.u32 s30, $0x4;
	s31 =	spop (v2sf);
	s1 =	sadd.s32 s3, s29  }
0x70: {  	[tilespmem:s25], [sflag:$0x1] =	stream.linear.gather [hbm4b:s26+s2], $0x80, $0x38;
	[tilespmem:$0x10200] =	vst v63  }
0x71: {  	s28 =	sand.u32 $0x1FFFFFF0, s28;
	s30 =	sshll.u32 s31, $0x4;
	s0 =	spop (v2sf)  }
0x72: {  	v0 =	vsel vm15, $0x0, v33;
	v60, _, _ =	vpop (xrf0);
	[tilespmem:s21], [sflag:$0x1] =	stream.linear.gather [hbm4b:s1+s2], $0x80, $0x38;
	[tilespmem:$0x10200] =	vst v63  }
0x73: {  	(xrf0) =	vadd.scan.msk.s32 $0xffff, v0;
	(v2sf) =	vpush v60, $0xF;
	s31 =	sshll.u32 s0, $0x4;
	s0 =	sadd.s32 s3, s28;
	s1 =	spop (v2sf)  }
0x74: {  	v2, _, _ =	vpop (xrf0);
	[tilespmem:s22], [sflag:$0x1] =	stream.linear.gather [hbm4b:s0+s2], $0x80, $0x38;
	[tilespmem:$0x10200] =	vst v63  }
0x75: {  	(v2sf) =	vpush v2, $0xF;
	v62, _, _ =	vpop (xrf0);
	s30 =	sand.u32 $0x1FFFFFF0, s30;
	s21 =	sand.u32 $0x1FFFFFF0, s31;
	s29 =	spop (v2sf)  }
0x76: {  	s25 =	sadd.s32 s3, s30;
	s28 =	sshll.u32 s1, $0x4;
	s1 =	spop (v2sf);
	(v2sf) =	vpush v62, $0xF  }
0x77: {  	[tilespmem:s23], [sflag:$0x1] =	stream.linear.gather [hbm4b:s25+s2], $0x80, $0x38;
	[tilespmem:$0x10200] =	vst v63  }
0x78: {  	s13 =	simm.s32 $0xE80;
	s21 =	sadd.s32 s3, s21;
	s30 =	sand.u32 $0x1FFFFFF0, s28  }
0x79: {  	v63, _, _ =	vpop (xrf0);
	[tilespmem:s24], [sflag:$0x1] =	stream.linear.gather [hbm4b:s21+s2], $0x80, $0x38;
	[tilespmem:$0x10200] =	vst v63  }
0x7a: {  	s11 =	simm.s32 $0x0;
	s0 =	sadd.s32 s3, s30;
	s31 =	sshll.u32 s29, $0x4;
	(v2sf) =	vpush v63, $0xF  }
0x7b: {  	s22 =	sand.u32 $0x1FFFFFF0, s31;
	s24 =	sshll.u32 s1, $0x4;
	s25 =	spop (v2sf)  }
0x7c: {  	[tilespmem:s20], [sflag:$0x1] =	stream.linear.gather [hbm4b:s0+s2], $0x80, $0x38;
	[tilespmem:$0x10200] =	vst v63  }
0x7d: {  	s20 =	sadd.s32 s3, s22;
	s22 =	sshll.u32 s25, $0x4;
	s26 =	spop (v2sf)  }
0x7e: {  	[tilespmem:s15], [sflag:$0x1] =	stream.linear.gather [hbm4b:s20+s2], $0x80, $0x38;
	[tilespmem:$0x10200] =	vst v63  }
0x7f: {  	s21 =	sand.u32 $0x1FFFFFF0, s24;
	s29 =	sand.u32 $0x1FFFFFF0, s22;
	s15 =	sshll.u32 s26, $0x4  }
0x80: {  	s28 =	sadd.s32 s3, s21;
	s30 =	sadd.s32 s3, s29;
	s15 =	sand.u32 $0x1FFFFFF0, s15  }
0x81: {  	[tilespmem:s13], [sflag:$0x1] =	stream.linear.gather [hbm4b:s28+s2], $0x80, $0x38;
	[tilespmem:$0x10200] =	vst v63  }
0x82: {  	s31 =	spop (v2sf);
	s13 =	simm.s32 $0x1A00;
	s15 =	sadd.s32 s3, s15  }
0x83: {  	[tilespmem:s14], [sflag:$0x1] =	stream.linear.gather [hbm4b:s30+s2], $0x80, $0x38;
	[tilespmem:$0x10200] =	vst v63  }
0x84: {  	s22 =	sshll.u32 s31, $0x4;
	s21 =	spop (v2sf);
	s14 =	simm.s32 $0x30  }
.LBB2_2:
0x85: {  	s20 =	sand.u32 $0x1FFFFFF0, s22;
	s21 =	sshll.u32 s21, $0x4;
	s22 =	spop (v2sf)  }
0x86: {  	[tilespmem:s12], [sflag:$0x1] =	stream.linear.gather [hbm4b:s15+s2], $0x80, $0x38;
	[tilespmem:$0x10200] =	vst v63  }
0x87: {  	s12 =	sadd.s32 s3, s20;
	s15 =	sand.u32 $0x1FFFFFF0, s21;
	s20 =	sshll.u32 s22, $0x4  }
0x88: {  	[tilespmem:s19], [sflag:$0x1] =	stream.linear.gather [hbm4b:s12+s2], $0x80, $0x38;
	[tilespmem:$0x10200] =	vst v63  }
0x89: {  	s12 =	sadd.s32 s3, s15;
	s15 =	sand.u32 $0x1FFFFFF0, s20;
	s19 =	spop (v2sf)  }
0x8a: {  	s11 =	sadd.s32 $0x2, s11;
	s15 =	sadd.s32 s3, s15;
	s19 =	sshll.u32 s19, $0x4  }
0x8b: {  	[tilespmem:s18], [sflag:$0x1] =	stream.linear.gather [hbm4b:s12+s2], $0x80, $0x38;
	[tilespmem:$0x10200] =	vst v63  }
0x8c: {  	p0 =	slt.u32 s11, $0x1E;
	s12 =	sadd.s32 $0x580, s13;
	s18 =	sand.u32 $0x1FFFFFF0, s19  }
0x8d: {  	[tilespmem:s17], [sflag:$0x1] =	stream.linear.gather [hbm4b:s15+s2], $0x80, $0x38;
	[tilespmem:$0x10200] =	vst v63  }
0x8e: {  	s17 =	sadd.s32 s3, s18;
	s15 =	smov.u32 s13  }
0x8f: {  	[tilespmem:s16], [sflag:$0x1] =	stream.linear.gather [hbm4b:s17+s2], $0x80, $0x38;
	[tilespmem:$0x10200] =	vst v63  }
0x90: {  	v0 =	vld [tilespmem:s14+$0xFFFFFFF0];
	_ =	sdelay $0x4  }
0x91: {  	v1 =	vnsel vm0, $0x0, v0;
	v2 =	vsel vm1, $0x0, v0;
	v3 =	vsel vm2, $0x0, v0  }
0x92: {  	v4 =	vsel vm3, $0x0, v0;
	v5 =	vsel vm4, $0x0, v0;
	v6 =	vsel vm5, $0x0, v0;
	(xrf0) =	vadd.scan.msk.s32 $0xffff, v1  }
0x93: {  	v7 =	vsel vm7, $0x0, v0;
	v8 =	vsel vm8, $0x0, v0;
	v1 =	vsel vm6, $0x0, v0;
	(xrf0) =	vadd.scan.msk.s32 $0xffff, v2  }
0x94: {  	v9 =	vsel vm10, $0x0, v0;
	v10 =	vsel vm11, $0x0, v0;
	v2 =	vsel vm9, $0x0, v0;
	(xrf0) =	vadd.scan.msk.s32 $0xffff, v3  }
0x95: {  	v11 =	vsel vm13, $0x0, v0;
	v12 =	vsel vm14, $0x0, v0;
	v3 =	vsel vm12, $0x0, v0;
	(xrf0) =	vadd.scan.msk.s32 $0xffff, v4  }
0x96: {  	v0 =	vsel vm15, $0x0, v0;
	(xrf0) =	vadd.scan.msk.s32 $0xffff, v5  }
0x97: {  	(xrf0) =	vadd.scan.msk.s32 $0xffff, v6  }
0x98: {  	v4, _, _ =	vpop (xrf0);
	(xrf0) =	vadd.scan.msk.s32 $0xffff, v1  }
0x99: {  	(v2sf) =	vpush v4, $0xF;
	v1, _, _ =	vpop (xrf0);
	(xrf0) =	vadd.scan.msk.s32 $0xffff, v7  }
0x9a: {  	(v2sf) =	vpush v1, $0xF;
	v1, _, _ =	vpop (xrf0);
	(xrf0) =	vadd.scan.msk.s32 $0xffff, v8  }
0x9b: {  	(v2sf) =	vpush v1, $0xF;
	v1, _, _ =	vpop (xrf0);
	(xrf0) =	vadd.scan.msk.s32 $0xffff, v2  }
0x9c: {  	v2, _, _ =	vpop (xrf0);
	(xrf0) =	vadd.scan.msk.s32 $0xffff, v9  }
0x9d: {  	v4, _, _ =	vpop (xrf0);
	(xrf0) =	vadd.scan.msk.s32 $0xffff, v10  }
0x9e: {  	(v2sf) =	vpush v1, $0xF;
	v1, _, _ =	vpop (xrf0);
	(xrf0) =	vadd.scan.msk.s32 $0xffff, v3  }
0x9f: {  	v3, _, _ =	vpop (xrf0);
	(xrf0) =	vadd.scan.msk.s32 $0xffff, v11  }
0xa0: {  	(v2sf) =	vpush v2, $0xF;
	v2, _, _ =	vpop (xrf0);
	(xrf0) =	vadd.scan.msk.s32 $0xffff, v12  }
0xa1: {  	v5, _, _ =	vpop (xrf0);
	(xrf0) =	vadd.scan.msk.s32 $0xffff, v0  }
0xa2: {  	(v2sf) =	vpush v4, $0xF;
	v0, _, _ =	vpop (xrf0)  }
0xa3: {  	v4, _, _ =	vpop (xrf0)  }
0xa4: {  	s16 =	sadd.s32 $0xFFFFFE80, s13;
	v6, _, _ =	vpop (xrf0)  }
0xa5: {  	s19 =	sadd.s32 $0xFFFFFD00, s13;
	s18 =	sadd.s32 $0xFFFFFD80, s13;
	s17 =	sadd.s32 $0xFFFFFE00, s13;
	(v2sf) =	vpush v1, $0xF;
	v1, _, _ =	vpop (xrf0)  }
0xa6: {  	s22 =	sadd.s32 $0xFFFFFB80, s13;
	s21 =	sadd.s32 $0xFFFFFC00, s13;
	s20 =	sadd.s32 $0xFFFFFC80, s13;
	(v2sf) =	vpush v3, $0xF;
	v3, _, _ =	vpop (xrf0)  }
0xa7: {  	s25 =	sadd.s32 $0xFFFFF980, s13;
	s24 =	sadd.s32 $0xFFFFFA80, s13;
	s23 =	sadd.s32 $0xFFFFFB00, s13;
	v7, _, _ =	vpop (xrf0)  }
0xa8: {  	s26 =	sadd.s32 $0xFFFFF880, s13;
	s28 =	sadd.s32 $0xFFFFF900, s13;
	s29 =	spop (v2sf)  }
0xa9: {  	s30 =	sadd.s32 $0xFFFFF800, s13;
	s29 =	sshll.u32 s29, $0x4;
	s31 =	spop (v2sf)  }
0xaa: {  	s29 =	sand.u32 $0x1FFFFFF0, s29;
	s31 =	sshll.u32 s31, $0x4;
	s0 =	spop (v2sf);
	(v2sf) =	vpush v2, $0xF  }
0xab: {  	s29 =	sadd.s32 s3, s29;
	s31 =	sand.u32 $0x1FFFFFF0, s31;
	s0 =	sshll.u32 s0, $0x4  }
0xac: {  	[tilespmem:s30], [sflag:$0x1] =	stream.linear.gather [hbm4b:s29+s2], $0x80, $0x38;
	(v2sf) =	vpush v5, $0xF;
	[tilespmem:$0x10200] =	vst v63  }
0xad: {  	s29 =	sadd.s32 s3, s31;
	s0 =	sand.u32 $0x1FFFFFF0, s0;
	s30 =	spop (v2sf)  }
0xae: {  	[tilespmem:s26], [sflag:$0x1] =	stream.linear.gather [hbm4b:s29+s2], $0x80, $0x38;
	(v2sf) =	vpush v0, $0xF;
	[tilespmem:$0x10200] =	vst v63  }
0xaf: {  	s0 =	sadd.s32 s3, s0;
	s26 =	sshll.u32 s30, $0x4;
	s29 =	spop (v2sf)  }
0xb0: {  	[tilespmem:s28], [sflag:$0x1] =	stream.linear.gather [hbm4b:s0+s2], $0x80, $0x38;
	[tilespmem:$0x10200] =	vst v63  }
0xb1: {  	s0 =	sand.u32 $0x1FFFFFF0, s26;
	s26 =	sshll.u32 s29, $0x4;
	s28 =	spop (v2sf);
	(v2sf) =	vpush v4, $0xF  }
0xb2: {  	s0 =	sadd.s32 s3, s0;
	s26 =	sand.u32 $0x1FFFFFF0, s26;
	s28 =	sshll.u32 s28, $0x4  }
0xb3: {  	[tilespmem:s25], [sflag:$0x1] =	stream.linear.gather [hbm4b:s0+s2], $0x80, $0x38;
	(v2sf) =	vpush v6, $0xF;
	[tilespmem:$0x10200] =	vst v63  }
0xb4: {  	s0 =	sadd.s32 s3, s26;
	s25 =	sand.u32 $0x1FFFFFF0, s28;
	s26 =	spop (v2sf)  }
0xb5: {  	s28 =	sadd.s32 $0xFFFFFA00, s13;
	s26 =	sshll.u32 s26, $0x4;
	s29 =	spop (v2sf);
	(v2sf) =	vpush v1, $0xF  }
0xb6: {  	[tilespmem:s28], [sflag:$0x1] =	stream.linear.gather [hbm4b:s0+s2], $0x80, $0x38;
	[tilespmem:$0x10200] =	vst v63  }
0xb7: {  	s0 =	sadd.s32 s3, s25;
	s25 =	sand.u32 $0x1FFFFFF0, s26;
	s26 =	sshll.u32 s29, $0x4  }
0xb8: {  	[tilespmem:s24], [sflag:$0x1] =	stream.linear.gather [hbm4b:s0+s2], $0x80, $0x38;
	(v2sf) =	vpush v3, $0xF;
	[tilespmem:$0x10200] =	vst v63  }
0xb9: {  	s0 =	sadd.s32 s3, s25;
	s24 =	sand.u32 $0x1FFFFFF0, s26;
	s25 =	spop (v2sf)  }
0xba: {  	[tilespmem:s23], [sflag:$0x1] =	stream.linear.gather [hbm4b:s0+s2], $0x80, $0x38;
	(v2sf) =	vpush v7, $0xF;
	[tilespmem:$0x10200] =	vst v63  }
0xbb: {  	s0 =	sadd.s32 s3, s24;
	s23 =	sshll.u32 s25, $0x4;
	s24 =	spop (v2sf)  }
0xbc: {  	[tilespmem:s22], [sflag:$0x1] =	stream.linear.gather [hbm4b:s0+s2], $0x80, $0x38;
	[tilespmem:$0x10200] =	vst v63  }
0xbd: {  	s0 =	sand.u32 $0x1FFFFFF0, s23;
	s22 =	sshll.u32 s24, $0x4;
	s23 =	spop (v2sf)  }
0xbe: {  	s0 =	sadd.s32 s3, s0;
	s22 =	sand.u32 $0x1FFFFFF0, s22;
	s23 =	sshll.u32 s23, $0x4  }
0xbf: {  	[tilespmem:s21], [sflag:$0x1] =	stream.linear.gather [hbm4b:s0+s2], $0x80, $0x38;
	[tilespmem:$0x10200] =	vst v63  }
0xc0: {  	s0 =	sadd.s32 s3, s22;
	s21 =	sand.u32 $0x1FFFFFF0, s23;
	s22 =	spop (v2sf)  }
0xc1: {  	[tilespmem:s20], [sflag:$0x1] =	stream.linear.gather [hbm4b:s0+s2], $0x80, $0x38;
	[tilespmem:$0x10200] =	vst v63  }
0xc2: {  	s0 =	sadd.s32 s3, s21;
	s20 =	sshll.u32 s22, $0x4;
	s21 =	spop (v2sf)  }
0xc3: {  	[tilespmem:s19], [sflag:$0x1] =	stream.linear.gather [hbm4b:s0+s2], $0x80, $0x38;
	[tilespmem:$0x10200] =	vst v63  }
0xc4: {  	s0 =	sand.u32 $0x1FFFFFF0, s20;
	s19 =	sshll.u32 s21, $0x4;
	s20 =	spop (v2sf)  }
0xc5: {  	s0 =	sadd.s32 s3, s0;
	s19 =	sand.u32 $0x1FFFFFF0, s19;
	s20 =	sshll.u32 s20, $0x4  }
0xc6: {  	[tilespmem:s18], [sflag:$0x1] =	stream.linear.gather [hbm4b:s0+s2], $0x80, $0x38;
	[tilespmem:$0x10200] =	vst v63  }
0xc7: {  	s0 =	sadd.s32 s3, s19;
	s18 =	sand.u32 $0x1FFFFFF0, s20;
	s19 =	spop (v2sf)  }
0xc8: {  	[tilespmem:s17], [sflag:$0x1] =	stream.linear.gather [hbm4b:s0+s2], $0x80, $0x38;
	[tilespmem:$0x10200] =	vst v63  }
0xc9: {  	s0 =	sadd.s32 s3, s18;
	s17 =	sshll.u32 s19, $0x4;
	s18 =	spop (v2sf)  }
0xca: {  	[tilespmem:s16], [sflag:$0x1] =	stream.linear.gather [hbm4b:s0+s2], $0x80, $0x38;
	[tilespmem:$0x10200] =	vst v63  }
0xcb: {  	s0 =	sand.u32 $0x1FFFFFF0, s17;
	s16 =	sshll.u32 s18, $0x4  }
0xcc: {  	s17 =	sadd.s32 $0xFFFFFF00, s13;
	s0 =	sadd.s32 s3, s0;
	s16 =	sand.u32 $0x1FFFFFF0, s16  }
0xcd: {  	[tilespmem:s17], [sflag:$0x1] =	stream.linear.gather [hbm4b:s0+s2], $0x80, $0x38;
	[tilespmem:$0x10200] =	vst v63  }
0xce: {  	s16 =	sadd.s32 s3, s16;
	s0 =	sadd.s32 $0xFFFFFF80, s13  }
0xcf: {  	[tilespmem:s0], [sflag:$0x1] =	stream.linear.gather [hbm4b:s16+s2], $0x80, $0x38;
	[tilespmem:$0x10200] =	vst v63  }
0xd0: {  	v0 =	vld [tilespmem:s14+$0x0];
	_ =	sdelay $0x4  }
0xd1: {  	v1 =	vnsel vm0, $0x0, v0;
	v2 =	vsel vm1, $0x0, v0;
	v3 =	vsel vm2, $0x0, v0  }
0xd2: {  	v4 =	vsel vm3, $0x0, v0;
	v5 =	vsel vm4, $0x0, v0;
	v6 =	vsel vm5, $0x0, v0;
	(xrf0) =	vadd.scan.msk.s32 $0xffff, v1  }
0xd3: {  	v7 =	vsel vm7, $0x0, v0;
	v8 =	vsel vm8, $0x0, v0;
	v1 =	vsel vm6, $0x0, v0;
	(xrf0) =	vadd.scan.msk.s32 $0xffff, v2  }
0xd4: {  	v9 =	vsel vm10, $0x0, v0;
	v10 =	vsel vm11, $0x0, v0;
	v2 =	vsel vm9, $0x0, v0;
	(xrf0) =	vadd.scan.msk.s32 $0xffff, v3  }
0xd5: {  	v11 =	vsel vm13, $0x0, v0;
	v12 =	vsel vm14, $0x0, v0;
	v3 =	vsel vm12, $0x0, v0;
	(xrf0) =	vadd.scan.msk.s32 $0xffff, v4  }
0xd6: {  	v0 =	vsel vm15, $0x0, v0;
	(xrf0) =	vadd.scan.msk.s32 $0xffff, v5  }
0xd7: {  	(xrf0) =	vadd.scan.msk.s32 $0xffff, v6  }
0xd8: {  	v4, _, _ =	vpop (xrf0);
	(xrf0) =	vadd.scan.msk.s32 $0xffff, v1  }
0xd9: {  	(v2sf) =	vpush v4, $0xF;
	v1, _, _ =	vpop (xrf0);
	(xrf0) =	vadd.scan.msk.s32 $0xffff, v7  }
0xda: {  	(v2sf) =	vpush v1, $0xF;
	v1, _, _ =	vpop (xrf0);
	(xrf0) =	vadd.scan.msk.s32 $0xffff, v8  }
0xdb: {  	(v2sf) =	vpush v1, $0xF;
	v1, _, _ =	vpop (xrf0);
	(xrf0) =	vadd.scan.msk.s32 $0xffff, v2  }
0xdc: {  	v2, _, _ =	vpop (xrf0);
	(xrf0) =	vadd.scan.msk.s32 $0xffff, v9  }
0xdd: {  	v4, _, _ =	vpop (xrf0);
	(xrf0) =	vadd.scan.msk.s32 $0xffff, v10  }
0xde: {  	(v2sf) =	vpush v1, $0xF;
	v1, _, _ =	vpop (xrf0);
	(xrf0) =	vadd.scan.msk.s32 $0xffff, v3  }
0xdf: {  	v3, _, _ =	vpop (xrf0);
	(xrf0) =	vadd.scan.msk.s32 $0xffff, v11  }
0xe0: {  	(v2sf) =	vpush v2, $0xF;
	v2, _, _ =	vpop (xrf0);
	(xrf0) =	vadd.scan.msk.s32 $0xffff, v12  }
0xe1: {  	(v2sf) =	vpush v4, $0xF;
	v4, _, _ =	vpop (xrf0);
	(xrf0) =	vadd.scan.msk.s32 $0xffff, v0  }
0xe2: {  	(v2sf) =	vpush v1, $0xF;
	v0, _, _ =	vpop (xrf0)  }
0xe3: {  	s16 =	sadd.s32 $0x780, s13;
	v1, _, _ =	vpop (xrf0)  }
0xe4: {  	s19 =	sadd.s32 $0x600, s13;
	s18 =	sadd.s32 $0x680, s13;
	s17 =	sadd.s32 $0x700, s13;
	v5, _, _ =	vpop (xrf0)  }
0xe5: {  	s20 =	sadd.s32 $0x500, s15;
	s13 =	sadd.s32 $0x1000, s13;
	s14 =	sadd.s32 $0x20, s14;
	v6, _, _ =	vpop (xrf0)  }
0xe6: {  	s23 =	sadd.s32 $0x380, s15;
	s22 =	sadd.s32 $0x400, s15;
	s21 =	sadd.s32 $0x480, s15;
	(v2sf) =	vpush v3, $0xF;
	v3, _, _ =	vpop (xrf0)  }
0xe7: {  	s25 =	sadd.s32 $0x280, s15;
	s24 =	sadd.s32 $0x300, s15;
	s0 =	sadd.s32 $0x200, s15;
	v7, _, _ =	vpop (xrf0)  }
0xe8: {  	s28 =	sadd.s32 $0x180, s15;
	s26 =	sadd.s32 $0x100, s15;
	s29 =	spop (v2sf);
	(v2sf) =	vpush v2, $0xF  }
0xe9: {  	s30 =	sadd.s32 $0x80, s15;
	s29 =	sshll.u32 s29, $0x4;
	s31 =	spop (v2sf)  }
0xea: {  	s29 =	sand.u32 $0x1FFFFFF0, s29;
	s31 =	sshll.u32 s31, $0x4;
	s1 =	spop (v2sf)  }
0xeb: {  	s29 =	sadd.s32 s3, s29;
	s31 =	sand.u32 $0x1FFFFFF0, s31;
	s1 =	sshll.u32 s1, $0x4  }
0xec: {  	[tilespmem:s15], [sflag:$0x1] =	stream.linear.gather [hbm4b:s29+s2], $0x80, $0x38;
	(v2sf) =	vpush v4, $0xF;
	[tilespmem:$0x10200] =	vst v63  }
0xed: {  	s15 =	sadd.s32 s3, s31;
	s1 =	sand.u32 $0x1FFFFFF0, s1;
	s29 =	spop (v2sf)  }
0xee: {  	[tilespmem:s30], [sflag:$0x1] =	stream.linear.gather [hbm4b:s15+s2], $0x80, $0x38;
	(v2sf) =	vpush v0, $0xF;
	[tilespmem:$0x10200] =	vst v63  }
0xef: {  	s1 =	sadd.s32 s3, s1;
	s15 =	sshll.u32 s29, $0x4;
	s29 =	spop (v2sf);
	(v2sf) =	vpush v1, $0xF  }
0xf0: {  	s15 =	sand.u32 $0x1FFFFFF0, s15;
	s29 =	sshll.u32 s29, $0x4;
	s30 =	spop (v2sf)  }
0xf1: {  	s29 =	sand.u32 $0x1FFFFFF0, s29;
	s30 =	sshll.u32 s30, $0x4;
	s31 =	spop (v2sf)  }
0xf2: {  	[tilespmem:s26], [sflag:$0x1] =	stream.linear.gather [hbm4b:s1+s2], $0x80, $0x38;
	(v2sf) =	vpush v5, $0xF;
	[tilespmem:$0x10200] =	vst v63  }
0xf3: {  	s1 =	sadd.s32 s3, s15;
	s15 =	sand.u32 $0x1FFFFFF0, s30;
	s26 =	sshll.u32 s31, $0x4  }
0xf4: {  	[tilespmem:s28], [sflag:$0x1] =	stream.linear.gather [hbm4b:s1+s2], $0x80, $0x38;
	(v2sf) =	vpush v6, $0xF;
	[tilespmem:$0x10200] =	vst v63  }
0xf5: {  	s26 =	sand.u32 $0x1FFFFFF0, s26;
	s1 =	sadd.s32 s3, s29;
	s28 =	spop (v2sf)  }
0xf6: {  	[tilespmem:s0], [sflag:$0x1] =	stream.linear.gather [hbm4b:s1+s2], $0x80, $0x38;
	(v2sf) =	vpush v3, $0xF;
	[tilespmem:$0x10200] =	vst v63  }
0xf7: {  	s0 =	sadd.s32 s3, s15;
	s1 =	sshll.u32 s28, $0x4;
	s15 =	spop (v2sf)  }
0xf8: {  	[tilespmem:s25], [sflag:$0x1] =	stream.linear.gather [hbm4b:s0+s2], $0x80, $0x38;
	[tilespmem:$0x10200] =	vst v63  }
0xf9: {  	s1 =	sand.u32 $0x1FFFFFF0, s1;
	s0 =	sadd.s32 s3, s26;
	s15 =	sshll.u32 s15, $0x4  }
0xfa: {  	[tilespmem:s24], [sflag:$0x1] =	stream.linear.gather [hbm4b:s0+s2], $0x80, $0x38;
	(v2sf) =	vpush v7, $0xF;
	[tilespmem:$0x10200] =	vst v63  }
0xfb: {  	s0 =	sadd.s32 s3, s1;
	s1 =	sand.u32 $0x1FFFFFF0, s15;
	s15 =	spop (v2sf)  }
0xfc: {  	[tilespmem:s23], [sflag:$0x1] =	stream.linear.gather [hbm4b:s0+s2], $0x80, $0x38;
	[tilespmem:$0x10200] =	vst v63  }
0xfd: {  	s0 =	sadd.s32 s3, s1;
	s1 =	sshll.u32 s15, $0x4;
	s15 =	spop (v2sf)  }
0xfe: {  	s1 =	sand.u32 $0x1FFFFFF0, s1;
	s15 =	sshll.u32 s15, $0x4;
	s23 =	spop (v2sf)  }
0xff: {  	s1 =	sadd.s32 s3, s1;
	s15 =	sand.u32 $0x1FFFFFF0, s15;
	s23 =	sshll.u32 s23, $0x4  }
0x100: {  	[tilespmem:s22], [sflag:$0x1] =	stream.linear.gather [hbm4b:s0+s2], $0x80, $0x38;
	[tilespmem:$0x10200] =	vst v63  }
.Ltmp0:
0x101: {  	_ = 	snop;
	(pc) =	sbr.rel @p0 .LBB2_2-.Ltmp0, $4  }
0x102: {  	s0 =	sadd.s32 s3, s15;
	s15 =	sand.u32 $0x1FFFFFF0, s23;
	s22 =	spop (v2sf)  }
0x103: {  	[tilespmem:s21], [sflag:$0x1] =	stream.linear.gather [hbm4b:s1+s2], $0x80, $0x38;
	[tilespmem:$0x10200] =	vst v63  }
0x104: {  	s15 =	sadd.s32 s3, s15;
	s22 =	sshll.u32 s22, $0x4;
	s21 =	spop (v2sf)  }
0x105: {  	[tilespmem:s20], [sflag:$0x1] =	stream.linear.gather [hbm4b:s0+s2], $0x80, $0x38;
	[tilespmem:$0x10200] =	vst v63  }
0x106: {  	s0 =	sand.u32 $0x1FFFFFF0, s22  }
0x107: {  	[tilespmem:s12], [sflag:$0x1] =	stream.linear.gather [hbm4b:s15+s2], $0x80, $0x38;
	[tilespmem:$0x10200] =	vst v63  }
0x108: {  	s1 =	sshll.u32 s21, $0x4;
	s11 =	spop (v2sf);
	s0 =	sadd.s32 s3, s0  }
0x109: {  	[tilespmem:s19], [sflag:$0x1] =	stream.linear.gather [hbm4b:s0+s2], $0x80, $0x38;
	[tilespmem:$0x10200] =	vst v63  }
0x10a: {  	s25 =	sand.u32 $0x1FFFFFF0, s1;
	s26 =	sshll.u32 s11, $0x4;
	s28 =	spop (v2sf)  }
0x10b: {  	s0 =	sadd.s32 s3, s25;
	s1 =	sand.u32 $0x1FFFFFF0, s26;
	s11 =	sshll.u32 s28, $0x4  }
0x10c: {  	[tilespmem:s18], [sflag:$0x1] =	stream.linear.gather [hbm4b:s0+s2], $0x80, $0x38;
	[tilespmem:$0x10200] =	vst v63  }
0x10d: {  	s29 =	sadd.s32 s3, s1;
	s30 =	sand.u32 $0x1FFFFFF0, s11  }
0x10e: {  	[tilespmem:s17], [sflag:$0x1] =	stream.linear.gather [hbm4b:s29+s2], $0x80, $0x38;
	[tilespmem:$0x10200] =	vst v63  }
0x10f: {  	s31 =	sadd.s32 s3, s30  }
0x110: {  	[tilespmem:s16], [sflag:$0x1] =	stream.linear.gather [hbm4b:s31+s2], $0x80, $0x38;
	[tilespmem:$0x10200] =	vst v63  }
0x111: {  	s10 =	sadd.s32 $0x1, s10;
	_ =	swait.ge [sflag:s8], $0x10000  }
0x112: {  	p0 =	sne.s32 s10, s6;
	[sflag:s8] =	ssyncset.done $0x0  }
.Ltmp1:
0x113: {  	[sflag:s8] =	ssyncadd.s32 $0xFFFF0000;
	(pc) =	sbr.rel @p0 .LBB2_1-.Ltmp1, $4  }
0x114: {  	[hbm4b:s5+s2] =	stream.linear.scatter [tilespmem:s9], [sflag:$0x2], $0x10000, $0x38;
	[tilespmem:$0x10200] =	vst v63  }
0x115: {  	_ =	swait.ge [sflag:s7], $0x10000  }
0x116: {  	[sflag:s7] =	ssyncset.done $0x0  }
0x117: {  	[sflag:s7] =	ssyncadd.s32 $0xFFFF0000  }
0x118: {  	_ =	sfence.sel $0x180000  }
0x119: {  	[bflag:$0x0] =	sbarrier.arrive $0xFFFF  }
0x11a: {  	_ =	strace $0x90000047  }
0x11b: {  	s0 =	stileid.u32;
	[bflag:$0x2] =	sbarrier.arrive $0xFFFF  }
0x11c: {  	p0 =	sne.s32 s0, $0x0;
	s0 =	rddreg [dreg:$0x2]  }
0x11d: {  	s0 =	sadd.s32 @!p0 $0x100000, s0  }
0x11e: {  	[sflag:s0] =	ssyncadd.tile.s32 @!p0 $0x1;
	_ =	shalt  }
.Lfunc_end2:
_tile_overlayer_lowered:
.L_overlay_start_2:
0x11f: {  	(tag) =	ssettag $0x2  }
0x120: {  	s0 =	rddreg [dreg:$0x0];
	s2 =	stileid.u32  }
0x121: {  	s1 =	rddreg [dreg:$0x1];
	p0 =	sne.s32 s2, $0x0  }
0x122: {  	s3 =	rddreg [dreg:$0x2];
	[bflag:$0x3] =	sbarrier.arrive $0xFFFF;
	s2 =	simm.s32 @!p0 $0x1C02  }
0x123: {  	[timem:s3], [sflag:s2] =	dma.local @!p0 [hbm:s0], s1  }
0x124: {  	s0 =	simm.s32 @!p0 $0x2  }
0x125: {  	_ =	swait.ge @!p0 [sflag:s0], s1  }
0x126: {  	s1 =	ssub.s32 @!p0 $0x0, s1;
	[sflag:s0] =	ssyncset.done @!p0 $0x0  }
0x127: {  	[sflag:s0] =	ssyncadd.s32 @!p0 s1  }
0x128: {  	[bflag:$0x3] =	sbarrier.arrive $0xFFFF  }
0x129: {  	_ =	shalt  }

</sc_bundles>
